<compile_context>
chip_gen: v7x
topology: tpu7x:2x2x1
jax: 0.10.2.dev20260603
libtpu: 0.0.44.dev20260713+nightly
codegen_flags: <defaults>
</compile_context>

<pallas_src>
import functools

import jax
import jax.numpy as jnp
from jax import lax
from jax.experimental import pallas as pl
from jax.experimental.pallas import tpu as pltpu
from jax.experimental.pallas import tpu_sc as plsc

_VOCAB = 1000000
_EMB = 64
_LABEL = 5
_B = 4096
_L = 200
_NC = 2
_NS = 16
_NW = _NC * _NS
_BPW = _B // _NW
_LANES = 16
_NV = _EMB // _LANES
_NBUF = 4
_W2 = 2 * _EMB
_VCHUNK = 4096
_NBLK = 123
_S = _NBLK * _VCHUNK
_BMAX = (_VOCAB - 1) // _VCHUNK


def _tc_transpose(a_ref, b_ref, e_ref, o_ref):
    eye = e_ref[...]
    ta = lax.dot_general(
        a_ref[...], eye, (((0,), (0,)), ((), ())),
        preferred_element_type=jnp.float32)
    tb = lax.dot_general(
        b_ref[...], eye, (((0,), (0,)), ((), ())),
        preferred_element_type=jnp.float32)
    o_ref[...] = jnp.concatenate([ta, tb], axis=-1)


def _repack_table(table_t):
    eye = jnp.eye(_EMB, dtype=jnp.float32)
    return pl.pallas_call(
        _tc_transpose,
        grid=(_NBLK,),
        in_specs=[
            pl.BlockSpec((_EMB, _VCHUNK), lambda i: (0, i)),
            pl.BlockSpec((_EMB, _VCHUNK),
                         lambda i: (0, jnp.minimum(i + _NBLK, _BMAX))),
            pl.BlockSpec((_EMB, _EMB), lambda i: (0, 0)),
        ],
        out_specs=pl.BlockSpec((_VCHUNK, _W2), lambda i: (i, 0)),
        out_shape=jax.ShapeDtypeStruct((_S, _W2), jnp.float32),
    )(table_t, table_t, eye)


def _sc_sum(rows2, table_lin):
    mesh = plsc.VectorSubcoreMesh(core_axis_name="c", subcore_axis_name="s")

    @functools.partial(
        pl.kernel,
        out_type=jax.ShapeDtypeStruct((_B, _EMB), jnp.float32),
        mesh=mesh,
        scratch_types=[
            pltpu.VMEM((_BPW, _L), jnp.int32),
            pltpu.VMEM((_NBUF, _L, _EMB), jnp.float32),
            pltpu.VMEM((_BPW, _EMB), jnp.float32),
            pltpu.SemaphoreType.DMA,
            pltpu.SemaphoreType.DMA,
            pltpu.SemaphoreType.DMA,
            pltpu.SemaphoreType.DMA,
        ],
        compiler_params=pltpu.CompilerParams(use_tc_tiling_on_sc=False),
    )
    def k(r_hbm, table_hbm, out_hbm, idx_v, rows_v, out_v, s0, s1, s2, s3):
        sems = [s0, s1, s2, s3]
        wid = lax.axis_index("s") * _NC + lax.axis_index("c")
        base = wid * _BPW
        pltpu.sync_copy(r_hbm.at[pl.ds(base, _BPW)], idx_v)

        def issue(i, j):
            pltpu.async_copy(
                table_hbm.at[idx_v.at[i, pl.ds(0, 104)]], rows_v.at[j, pl.ds(0, 104)],
                sems[j])
            pltpu.async_copy(
                table_hbm.at[idx_v.at[i, pl.ds(104, 96)]], rows_v.at[j, pl.ds(104, 96)],
                sems[j])

        for j in range(_NBUF):
            issue(j, j)

        def group(g, _):
            for j in range(_NBUF):
                i = g * _NBUF + j
                pltpu.make_async_copy(
                    table_hbm.at[pl.ds(0, _L)], rows_v.at[j], sems[j]).wait()

                zero = jnp.zeros((_LANES,), jnp.float32)
                accs = [zero] * (2 * _NV)

                def red(lb, accs, j=j):
                    accs = list(accs)
                    for u in range(8):
                        l = lb * 8 + u
                        p = (u % 2) * _NV
                        for d in range(_NV):
                            accs[p + d] = accs[p + d] + rows_v[
                                j, l, pl.ds(d * _LANES, _LANES)]
                    return tuple(accs)

                accs = lax.fori_loop(0, _L // 8, red, tuple(accs))
                for d in range(_NV):
                    out_v[i, pl.ds(d * _LANES, _LANES)] = (
                        accs[d] + accs[_NV + d])

                @pl.when(i + _NBUF < _BPW)
                def _(i=i, j=j):
                    issue(i + _NBUF, j)
            return 0

        lax.fori_loop(0, _BPW // _NBUF, group, 0)
        pltpu.sync_copy(out_v, out_hbm.at[pl.ds(base, _BPW)])

    return k(rows2, table_lin)


def _tc_head(x_ref, w_ref, b_ref, o_ref):
    x = x_ref[...] * (1.0 / _L)
    logits = lax.dot_general(
        x, w_ref[...], (((1,), (1,)), ((), ())),
        preferred_element_type=jnp.float32) + b_ref[...]
    m = jnp.max(logits, axis=1, keepdims=True)
    s = logits - m
    o_ref[...] = s - jnp.log(jnp.sum(jnp.exp(s), axis=1, keepdims=True))


def kernel(src, src_lengths, emb_table, W, b):
    del src_lengths
    src_i = src.astype(jnp.int32)
    rows2 = jnp.where(src_i < _S, 2 * src_i, 2 * (src_i - _S) + 1)
    table_lin = _repack_table(emb_table.T).reshape(2 * _S, _EMB)
    sums = _sc_sum(rows2, table_lin)
    return pl.pallas_call(
        _tc_head,
        out_shape=jax.ShapeDtypeStruct((_B, _LABEL), jnp.float32),
    )(sums, W, b.reshape(1, _LABEL))

# --- scband reference (transcript-rebuilt; emitter-appended) ---
"""Pipeline reference for scband-fast-text-43860206026752 (READ-ONLY COPY).

The authoritative reference and input builder live on the scoring server;
editing this copy changes nothing except your own understanding.
"""

import jax, jax.numpy as jnp
import numpy as np

VOCAB = 1000000
EMB = 64
LABEL = 5
PAD = 0
B = 4096
L = 200


def setup_inputs(seed: int = 0) -> dict:
    key = jax.random.key(seed)
    k1, k2, k3, k4, k5 = jax.random.split(key, 5)
    src = jax.random.randint(k1, (B, L), 0, VOCAB, dtype=jnp.int64)
    src_lengths = jax.random.randint(k2, (B,), 0, L, dtype=jnp.int64)
    emb_table = jax.random.normal(k3, (VOCAB, EMB), dtype=jnp.float32) * 0.1
    emb_table = emb_table.at[PAD].set(0.0)  # torch nn.Embedding zeros the padding_idx row
    W = jax.random.normal(k4, (LABEL, EMB), dtype=jnp.float32) * 0.1
    b = jnp.zeros((LABEL,), dtype=jnp.float32)
    return {"src": src, "src_lengths": src_lengths, "emb_table": emb_table, "W": W, "b": b}


def reference(src, src_lengths, emb_table, W, b):
    # src_lengths is accepted but unused, matching the torch forward
    src_emb = jnp.take(emb_table, src, axis=0)          # [B, L, EMB] gather
    src_emb = jnp.mean(src_emb, axis=1)                 # [B, EMB]
    logits = src_emb @ W.T + b                          # [B, LABEL]
    out = jax.nn.log_softmax(logits.reshape(-1, LABEL), axis=1)
    return out

if __name__ == "__main__":
    import jax
    _d = setup_inputs()
    print(jax.jit(kernel)(*tuple(_d.values())))

</pallas_src>

<mosaic_0001>
#map = affine_map<(d0, d1) -> (0, 0)>
module attributes {stable_mosaic.version = 14 : i64} {
  func.func @k(%arg0: i32, %arg1: i32, %arg2: memref<4096x200xi32, #tpu.memory_space<hbm>>, %arg3: memref<1007616x64xf32, #tpu.memory_space<hbm>>, %arg4: memref<4096x64xf32, #tpu.memory_space<hbm>>, %arg5: memref<128x200xi32, #tpu.memory_space<vmem>>, %arg6: memref<4x200x64xf32, #tpu.memory_space<vmem>>, %arg7: memref<128x64xf32, #tpu.memory_space<vmem>>, %arg8: memref<!tpu.dma_semaphore, #tpu.memory_space<semaphore_mem>>, %arg9: memref<!tpu.dma_semaphore, #tpu.memory_space<semaphore_mem>>, %arg10: memref<!tpu.dma_semaphore, #tpu.memory_space<semaphore_mem>>, %arg11: memref<!tpu.dma_semaphore, #tpu.memory_space<semaphore_mem>>) attributes {dimension_semantics = [#tpu.dimension_semantics<core_parallel>, #tpu.dimension_semantics<subcore_parallel>], iteration_bounds = array<i64: 2, 16>, scalar_prefetch = 0 : i64, scratch_operands = 7 : i64, tpu.core_type = #tpu.core_type<sc_vector_subcore>, window_params = [{transform_indices = #map}, {transform_indices = #map}, {transform_indices = #map}]} {
    %mul3A = arith.constant 2 : i32
    %mul3A_0 = arith.muli %arg1, %mul3A : i32
    %add3A = arith.addi %mul3A_0, %arg0 : i32
    %mul3A_1 = arith.constant 128 : i32
    %mul3A_2 = arith.muli %add3A, %mul3A_1 : i32
    "tpu.region"() ({
      %run_scoped3A = tpu.sem_alloc : memref<!tpu.dma_semaphore, #tpu.memory_space<semaphore_mem>>
      %dma_start3A_104 = arith.constant 0 : i32
      %dma_start3A_105 = tpu.memref_slice %arg2[%mul3A_2, %dma_start3A_104] : memref<4096x200xi32, #tpu.memory_space<hbm>> -> memref<128x200xi32, #tpu.memory_space<hbm>>
      %dma_start3A_106 = arith.constant 0 : i32
      %dma_start3A_107 = tpu.memref_slice %arg2[%mul3A_2, %dma_start3A_106] : memref<4096x200xi32, #tpu.memory_space<hbm>> -> memref<128x200xi32, #tpu.memory_space<hbm>>
      tpu.enqueue_dma source(%dma_start3A_107 : memref<128x200xi32, #tpu.memory_space<hbm>>) target(%arg5 : memref<128x200xi32, #tpu.memory_space<vmem>>) target_semaphore(%run_scoped3A : memref<!tpu.dma_semaphore, #tpu.memory_space<semaphore_mem>>)
      %dma_wait3A = arith.constant 0 : i32
      %dma_wait3A_108 = tpu.memref_slice %arg2[%mul3A_2, %dma_wait3A] : memref<4096x200xi32, #tpu.memory_space<hbm>> -> memref<128x200xi32, #tpu.memory_space<hbm>>
      %dma_wait3A_109 = arith.constant 0 : i32
      %dma_wait3A_110 = tpu.memref_slice %arg2[%mul3A_2, %dma_wait3A_109] : memref<4096x200xi32, #tpu.memory_space<hbm>> -> memref<128x200xi32, #tpu.memory_space<hbm>>
      tpu.wait_dma2 semaphore(%run_scoped3A : memref<!tpu.dma_semaphore, #tpu.memory_space<semaphore_mem>>) src(%dma_wait3A_110 : memref<128x200xi32, #tpu.memory_space<hbm>>) dst(%arg5 : memref<128x200xi32, #tpu.memory_space<vmem>>)
      tpu.yield
    }) : () -> ()
    %dma_start3A = arith.constant 0 : i32
    %dma_start3A_3 = arith.constant 0 : i32
    %dma_start3A_4 = arith.constant 0 : i32
    %dma_start3A_5 = arith.constant 0 : i32
    %dma_start3A_6 = tpu.memref_slice %arg6[%dma_start3A_3, %dma_start3A_4, %dma_start3A_5] : memref<4x200x64xf32, #tpu.memory_space<vmem>> -> memref<1x104x64xf32, #tpu.memory_space<vmem>>
    %dma_start3A_7 = tpu.memref_squeeze %dma_start3A_6 : memref<1x104x64xf32, #tpu.memory_space<vmem>> -> memref<104x64xf32, #tpu.memory_space<vmem>>
    %dma_start3A_8 = arith.constant 0 : i32
    %dma_start3A_9 = tpu.memref_slice %arg5[%dma_start3A, %dma_start3A_8] : memref<128x200xi32, #tpu.memory_space<vmem>> -> memref<1x104xi32, #tpu.memory_space<vmem>>
    %dma_start3A_10 = tpu.memref_squeeze %dma_start3A_9 : memref<1x104xi32, #tpu.memory_space<vmem>> -> memref<104xi32, #tpu.memory_space<vmem>>
    %dma_start3A_11 = arith.constant 0 : i32
    %dma_start3A_12 = arith.constant 0 : i32
    %dma_start3A_13 = tpu.memref_slice %arg3[%dma_start3A_11, %dma_start3A_12] : memref<1007616x64xf32, #tpu.memory_space<hbm>> -> memref<1007616x64xf32, #tpu.memory_space<hbm>>
    tpu.enqueue_indirect_dma source(%dma_start3A_13 : memref<1007616x64xf32, #tpu.memory_space<hbm>>) target(%dma_start3A_7 : memref<104x64xf32, #tpu.memory_space<vmem>>) offsets(%dma_start3A_10 : memref<104xi32, #tpu.memory_space<vmem>>) semaphore(%arg8 : memref<!tpu.dma_semaphore, #tpu.memory_space<semaphore_mem>>)
    %dma_start3A_14 = arith.constant 0 : i32
    %dma_start3A_15 = arith.constant 0 : i32
    %dma_start3A_16 = arith.constant 104 : i32
    %dma_start3A_17 = arith.constant 0 : i32
    %dma_start3A_18 = tpu.memref_slice %arg6[%dma_start3A_15, %dma_start3A_16, %dma_start3A_17] : memref<4x200x64xf32, #tpu.memory_space<vmem>> -> memref<1x96x64xf32, #tpu.memory_space<vmem>>
    %dma_start3A_19 = tpu.memref_squeeze %dma_start3A_18 : memref<1x96x64xf32, #tpu.memory_space<vmem>> -> memref<96x64xf32, #tpu.memory_space<vmem>>
    %dma_start3A_20 = arith.constant 104 : i32
    %dma_start3A_21 = tpu.memref_slice %arg5[%dma_start3A_14, %dma_start3A_20] : memref<128x200xi32, #tpu.memory_space<vmem>> -> memref<1x96xi32, #tpu.memory_space<vmem>>
    %dma_start3A_22 = tpu.memref_squeeze %dma_start3A_21 : memref<1x96xi32, #tpu.memory_space<vmem>> -> memref<96xi32, #tpu.memory_space<vmem>>
    %dma_start3A_23 = arith.constant 0 : i32
    %dma_start3A_24 = arith.constant 0 : i32
    %dma_start3A_25 = tpu.memref_slice %arg3[%dma_start3A_23, %dma_start3A_24] : memref<1007616x64xf32, #tpu.memory_space<hbm>> -> memref<1007616x64xf32, #tpu.memory_space<hbm>>
    tpu.enqueue_indirect_dma source(%dma_start3A_25 : memref<1007616x64xf32, #tpu.memory_space<hbm>>) target(%dma_start3A_19 : memref<96x64xf32, #tpu.memory_space<vmem>>) offsets(%dma_start3A_22 : memref<96xi32, #tpu.memory_space<vmem>>) semaphore(%arg8 : memref<!tpu.dma_semaphore, #tpu.memory_space<semaphore_mem>>)
    %dma_start3A_26 = arith.constant 1 : i32
    %dma_start3A_27 = arith.constant 1 : i32
    %dma_start3A_28 = arith.constant 0 : i32
    %dma_start3A_29 = arith.constant 0 : i32
    %dma_start3A_30 = tpu.memref_slice %arg6[%dma_start3A_27, %dma_start3A_28, %dma_start3A_29] : memref<4x200x64xf32, #tpu.memory_space<vmem>> -> memref<1x104x64xf32, #tpu.memory_space<vmem>>
    %dma_start3A_31 = tpu.memref_squeeze %dma_start3A_30 : memref<1x104x64xf32, #tpu.memory_space<vmem>> -> memref<104x64xf32, #tpu.memory_space<vmem>>
    %dma_start3A_32 = arith.constant 0 : i32
    %dma_start3A_33 = tpu.memref_slice %arg5[%dma_start3A_26, %dma_start3A_32] : memref<128x200xi32, #tpu.memory_space<vmem>> -> memref<1x104xi32, #tpu.memory_space<vmem>>
    %dma_start3A_34 = tpu.memref_squeeze %dma_start3A_33 : memref<1x104xi32, #tpu.memory_space<vmem>> -> memref<104xi32, #tpu.memory_space<vmem>>
    %dma_start3A_35 = arith.constant 0 : i32
    %dma_start3A_36 = arith.constant 0 : i32
    %dma_start3A_37 = tpu.memref_slice %arg3[%dma_start3A_35, %dma_start3A_36] : memref<1007616x64xf32, #tpu.memory_space<hbm>> -> memref<1007616x64xf32, #tpu.memory_space<hbm>>
    tpu.enqueue_indirect_dma source(%dma_start3A_37 : memref<1007616x64xf32, #tpu.memory_space<hbm>>) target(%dma_start3A_31 : memref<104x64xf32, #tpu.memory_space<vmem>>) offsets(%dma_start3A_34 : memref<104xi32, #tpu.memory_space<vmem>>) semaphore(%arg9 : memref<!tpu.dma_semaphore, #tpu.memory_space<semaphore_mem>>)
    %dma_start3A_38 = arith.constant 1 : i32
    %dma_start3A_39 = arith.constant 1 : i32
    %dma_start3A_40 = arith.constant 104 : i32
    %dma_start3A_41 = arith.constant 0 : i32
    %dma_start3A_42 = tpu.memref_slice %arg6[%dma_start3A_39, %dma_start3A_40, %dma_start3A_41] : memref<4x200x64xf32, #tpu.memory_space<vmem>> -> memref<1x96x64xf32, #tpu.memory_space<vmem>>
    %dma_start3A_43 = tpu.memref_squeeze %dma_start3A_42 : memref<1x96x64xf32, #tpu.memory_space<vmem>> -> memref<96x64xf32, #tpu.memory_space<vmem>>
    %dma_start3A_44 = arith.constant 104 : i32
    %dma_start3A_45 = tpu.memref_slice %arg5[%dma_start3A_38, %dma_start3A_44] : memref<128x200xi32, #tpu.memory_space<vmem>> -> memref<1x96xi32, #tpu.memory_space<vmem>>
    %dma_start3A_46 = tpu.memref_squeeze %dma_start3A_45 : memref<1x96xi32, #tpu.memory_space<vmem>> -> memref<96xi32, #tpu.memory_space<vmem>>
    %dma_start3A_47 = arith.constant 0 : i32
    %dma_start3A_48 = arith.constant 0 : i32
    %dma_start3A_49 = tpu.memref_slice %arg3[%dma_start3A_47, %dma_start3A_48] : memref<1007616x64xf32, #tpu.memory_space<hbm>> -> memref<1007616x64xf32, #tpu.memory_space<hbm>>
    tpu.enqueue_indirect_dma source(%dma_start3A_49 : memref<1007616x64xf32, #tpu.memory_space<hbm>>) target(%dma_start3A_43 : memref<96x64xf32, #tpu.memory_space<vmem>>) offsets(%dma_start3A_46 : memref<96xi32, #tpu.memory_space<vmem>>) semaphore(%arg9 : memref<!tpu.dma_semaphore, #tpu.memory_space<semaphore_mem>>)
    %dma_start3A_50 = arith.constant 2 : i32
    %dma_start3A_51 = arith.constant 2 : i32
    %dma_start3A_52 = arith.constant 0 : i32
    %dma_start3A_53 = arith.constant 0 : i32
    %dma_start3A_54 = tpu.memref_slice %arg6[%dma_start3A_51, %dma_start3A_52, %dma_start3A_53] : memref<4x200x64xf32, #tpu.memory_space<vmem>> -> memref<1x104x64xf32, #tpu.memory_space<vmem>>
    %dma_start3A_55 = tpu.memref_squeeze %dma_start3A_54 : memref<1x104x64xf32, #tpu.memory_space<vmem>> -> memref<104x64xf32, #tpu.memory_space<vmem>>
    %dma_start3A_56 = arith.constant 0 : i32
    %dma_start3A_57 = tpu.memref_slice %arg5[%dma_start3A_50, %dma_start3A_56] : memref<128x200xi32, #tpu.memory_space<vmem>> -> memref<1x104xi32, #tpu.memory_space<vmem>>
    %dma_start3A_58 = tpu.memref_squeeze %dma_start3A_57 : memref<1x104xi32, #tpu.memory_space<vmem>> -> memref<104xi32, #tpu.memory_space<vmem>>
    %dma_start3A_59 = arith.constant 0 : i32
    %dma_start3A_60 = arith.constant 0 : i32
    %dma_start3A_61 = tpu.memref_slice %arg3[%dma_start3A_59, %dma_start3A_60] : memref<1007616x64xf32, #tpu.memory_space<hbm>> -> memref<1007616x64xf32, #tpu.memory_space<hbm>>
    tpu.enqueue_indirect_dma source(%dma_start3A_61 : memref<1007616x64xf32, #tpu.memory_space<hbm>>) target(%dma_start3A_55 : memref<104x64xf32, #tpu.memory_space<vmem>>) offsets(%dma_start3A_58 : memref<104xi32, #tpu.memory_space<vmem>>) semaphore(%arg10 : memref<!tpu.dma_semaphore, #tpu.memory_space<semaphore_mem>>)
    %dma_start3A_62 = arith.constant 2 : i32
    %dma_start3A_63 = arith.constant 2 : i32
    %dma_start3A_64 = arith.constant 104 : i32
    %dma_start3A_65 = arith.constant 0 : i32
    %dma_start3A_66 = tpu.memref_slice %arg6[%dma_start3A_63, %dma_start3A_64, %dma_start3A_65] : memref<4x200x64xf32, #tpu.memory_space<vmem>> -> memref<1x96x64xf32, #tpu.memory_space<vmem>>
    %dma_start3A_67 = tpu.memref_squeeze %dma_start3A_66 : memref<1x96x64xf32, #tpu.memory_space<vmem>> -> memref<96x64xf32, #tpu.memory_space<vmem>>
    %dma_start3A_68 = arith.constant 104 : i32
    %dma_start3A_69 = tpu.memref_slice %arg5[%dma_start3A_62, %dma_start3A_68] : memref<128x200xi32, #tpu.memory_space<vmem>> -> memref<1x96xi32, #tpu.memory_space<vmem>>
    %dma_start3A_70 = tpu.memref_squeeze %dma_start3A_69 : memref<1x96xi32, #tpu.memory_space<vmem>> -> memref<96xi32, #tpu.memory_space<vmem>>
    %dma_start3A_71 = arith.constant 0 : i32
    %dma_start3A_72 = arith.constant 0 : i32
    %dma_start3A_73 = tpu.memref_slice %arg3[%dma_start3A_71, %dma_start3A_72] : memref<1007616x64xf32, #tpu.memory_space<hbm>> -> memref<1007616x64xf32, #tpu.memory_space<hbm>>
    tpu.enqueue_indirect_dma source(%dma_start3A_73 : memref<1007616x64xf32, #tpu.memory_space<hbm>>) target(%dma_start3A_67 : memref<96x64xf32, #tpu.memory_space<vmem>>) offsets(%dma_start3A_70 : memref<96xi32, #tpu.memory_space<vmem>>) semaphore(%arg10 : memref<!tpu.dma_semaphore, #tpu.memory_space<semaphore_mem>>)
    %dma_start3A_74 = arith.constant 3 : i32
    %dma_start3A_75 = arith.constant 3 : i32
    %dma_start3A_76 = arith.constant 0 : i32
    %dma_start3A_77 = arith.constant 0 : i32
    %dma_start3A_78 = tpu.memref_slice %arg6[%dma_start3A_75, %dma_start3A_76, %dma_start3A_77] : memref<4x200x64xf32, #tpu.memory_space<vmem>> -> memref<1x104x64xf32, #tpu.memory_space<vmem>>
    %dma_start3A_79 = tpu.memref_squeeze %dma_start3A_78 : memref<1x104x64xf32, #tpu.memory_space<vmem>> -> memref<104x64xf32, #tpu.memory_space<vmem>>
    %dma_start3A_80 = arith.constant 0 : i32
    %dma_start3A_81 = tpu.memref_slice %arg5[%dma_start3A_74, %dma_start3A_80] : memref<128x200xi32, #tpu.memory_space<vmem>> -> memref<1x104xi32, #tpu.memory_space<vmem>>
    %dma_start3A_82 = tpu.memref_squeeze %dma_start3A_81 : memref<1x104xi32, #tpu.memory_space<vmem>> -> memref<104xi32, #tpu.memory_space<vmem>>
    %dma_start3A_83 = arith.constant 0 : i32
    %dma_start3A_84 = arith.constant 0 : i32
    %dma_start3A_85 = tpu.memref_slice %arg3[%dma_start3A_83, %dma_start3A_84] : memref<1007616x64xf32, #tpu.memory_space<hbm>> -> memref<1007616x64xf32, #tpu.memory_space<hbm>>
    tpu.enqueue_indirect_dma source(%dma_start3A_85 : memref<1007616x64xf32, #tpu.memory_space<hbm>>) target(%dma_start3A_79 : memref<104x64xf32, #tpu.memory_space<vmem>>) offsets(%dma_start3A_82 : memref<104xi32, #tpu.memory_space<vmem>>) semaphore(%arg11 : memref<!tpu.dma_semaphore, #tpu.memory_space<semaphore_mem>>)
    %dma_start3A_86 = arith.constant 3 : i32
    %dma_start3A_87 = arith.constant 3 : i32
    %dma_start3A_88 = arith.constant 104 : i32
    %dma_start3A_89 = arith.constant 0 : i32
    %dma_start3A_90 = tpu.memref_slice %arg6[%dma_start3A_87, %dma_start3A_88, %dma_start3A_89] : memref<4x200x64xf32, #tpu.memory_space<vmem>> -> memref<1x96x64xf32, #tpu.memory_space<vmem>>
    %dma_start3A_91 = tpu.memref_squeeze %dma_start3A_90 : memref<1x96x64xf32, #tpu.memory_space<vmem>> -> memref<96x64xf32, #tpu.memory_space<vmem>>
    %dma_start3A_92 = arith.constant 104 : i32
    %dma_start3A_93 = tpu.memref_slice %arg5[%dma_start3A_86, %dma_start3A_92] : memref<128x200xi32, #tpu.memory_space<vmem>> -> memref<1x96xi32, #tpu.memory_space<vmem>>
    %dma_start3A_94 = tpu.memref_squeeze %dma_start3A_93 : memref<1x96xi32, #tpu.memory_space<vmem>> -> memref<96xi32, #tpu.memory_space<vmem>>
    %dma_start3A_95 = arith.constant 0 : i32
    %dma_start3A_96 = arith.constant 0 : i32
    %dma_start3A_97 = tpu.memref_slice %arg3[%dma_start3A_95, %dma_start3A_96] : memref<1007616x64xf32, #tpu.memory_space<hbm>> -> memref<1007616x64xf32, #tpu.memory_space<hbm>>
    tpu.enqueue_indirect_dma source(%dma_start3A_97 : memref<1007616x64xf32, #tpu.memory_space<hbm>>) target(%dma_start3A_91 : memref<96x64xf32, #tpu.memory_space<vmem>>) offsets(%dma_start3A_94 : memref<96xi32, #tpu.memory_space<vmem>>) semaphore(%arg11 : memref<!tpu.dma_semaphore, #tpu.memory_space<semaphore_mem>>)
    %scan3A = arith.constant 0 : i32
    %scan3A_98 = arith.constant 0 : i32
    %scan3A_99 = arith.constant 32 : i32
    %scan3A_100 = arith.addi %scan3A_98, %scan3A_99 : i32
    %scan3A_101 = arith.constant 1 : i32
    %scan3A_102 = scf.for %scan3A_104 = %scan3A_98 to %scan3A_100 step %scan3A_101 iter_args(%scan3A_105 = %scan3A) -> (i32)  : i32 {
      %mul3A_106 = arith.constant 4 : i32
      %mul3A_107 = arith.muli %scan3A_104, %mul3A_106 : i32
      %add3A_108 = arith.constant 0 : i32
      %add3A_109 = arith.addi %mul3A_107, %add3A_108 : i32
      %dma_wait3A = arith.constant 0 : i32
      %dma_wait3A_110 = arith.constant 0 : i32
      %dma_wait3A_111 = arith.constant 0 : i32
      %dma_wait3A_112 = tpu.memref_slice %arg6[%dma_wait3A, %dma_wait3A_110, %dma_wait3A_111] : memref<4x200x64xf32, #tpu.memory_space<vmem>> -> memref<1x200x64xf32, #tpu.memory_space<vmem>>
      %dma_wait3A_113 = tpu.memref_squeeze %dma_wait3A_112 : memref<1x200x64xf32, #tpu.memory_space<vmem>> -> memref<200x64xf32, #tpu.memory_space<vmem>>
      %dma_wait3A_114 = arith.constant 0 : i32
      %dma_wait3A_115 = arith.constant 0 : i32
      %dma_wait3A_116 = tpu.memref_slice %arg3[%dma_wait3A_114, %dma_wait3A_115] : memref<1007616x64xf32, #tpu.memory_space<hbm>> -> memref<200x64xf32, #tpu.memory_space<hbm>>
      %dma_wait3A_117 = arith.constant 0 : i32
      %dma_wait3A_118 = arith.constant 0 : i32
      %dma_wait3A_119 = tpu.memref_slice %arg6[%dma_wait3A, %dma_wait3A_117, %dma_wait3A_118] : memref<4x200x64xf32, #tpu.memory_space<vmem>> -> memref<1x200x64xf32, #tpu.memory_space<vmem>>
      %dma_wait3A_120 = tpu.memref_squeeze %dma_wait3A_119 : memref<1x200x64xf32, #tpu.memory_space<vmem>> -> memref<200x64xf32, #tpu.memory_space<vmem>>
      %dma_wait3A_121 = arith.constant 0 : i32
      %dma_wait3A_122 = arith.constant 0 : i32
      %dma_wait3A_123 = tpu.memref_slice %arg3[%dma_wait3A_121, %dma_wait3A_122] : memref<1007616x64xf32, #tpu.memory_space<hbm>> -> memref<200x64xf32, #tpu.memory_space<hbm>>
      tpu.wait_dma2 semaphore(%arg8 : memref<!tpu.dma_semaphore, #tpu.memory_space<semaphore_mem>>) src(%dma_wait3A_123 : memref<200x64xf32, #tpu.memory_space<hbm>>) dst(%dma_wait3A_120 : memref<200x64xf32, #tpu.memory_space<vmem>>)
      %broadcast_in_dim3A = arith.constant 0.000000e+00 : f32
      %broadcast_in_dim3A_124 = vector.broadcast %broadcast_in_dim3A : f32 to vector<16xf32>
      %scan3A_125 = arith.constant 0 : i32
      %scan3A_126 = arith.constant 25 : i32
      %scan3A_127 = arith.addi %scan3A_125, %scan3A_126 : i32
      %scan3A_128 = arith.constant 1 : i32
      %scan3A_129:8 = scf.for %scan3A_333 = %scan3A_125 to %scan3A_127 step %scan3A_128 iter_args(%scan3A_334 = %broadcast_in_dim3A_124, %scan3A_335 = %broadcast_in_dim3A_124, %scan3A_336 = %broadcast_in_dim3A_124, %scan3A_337 = %broadcast_in_dim3A_124, %scan3A_338 = %broadcast_in_dim3A_124, %scan3A_339 = %broadcast_in_dim3A_124, %scan3A_340 = %broadcast_in_dim3A_124, %scan3A_341 = %broadcast_in_dim3A_124) -> (vector<16xf32>, vector<16xf32>, vector<16xf32>, vector<16xf32>, vector<16xf32>, vector<16xf32>, vector<16xf32>, vector<16xf32>)  : i32 {
        %mul3A_342 = arith.constant 8 : i32
        %mul3A_343 = arith.muli %scan3A_333, %mul3A_342 : i32
        %add3A_344 = arith.constant 0 : i32
        %add3A_345 = arith.addi %mul3A_343, %add3A_344 : i32
        %get3A = arith.constant 0 : i32
        %get3A_346 = arith.index_cast %get3A : i32 to index
        %get3A_347 = arith.index_cast %add3A_345 : i32 to index
        %get3A_348 = arith.constant 0 : index
        %get3A_349 = tpu.vector_load %arg6[%get3A_346, %get3A_347, %get3A_348] {strides = array<i32>} : memref<4x200x64xf32, #tpu.memory_space<vmem>>, vector<1x1x16xf32>,
        %get3A_350 = vector.shape_cast %get3A_349 : vector<1x1x16xf32> to vector<16xf32>
        %add3A_351 = arith.addf %scan3A_334, %get3A_350 : vector<16xf32>
        %get3A_352 = arith.constant 0 : i32
        %get3A_353 = arith.index_cast %get3A_352 : i32 to index
        %get3A_354 = arith.index_cast %add3A_345 : i32 to index
        %get3A_355 = arith.constant 16 : index
        %get3A_356 = tpu.vector_load %arg6[%get3A_353, %get3A_354, %get3A_355] {strides = array<i32>} : memref<4x200x64xf32, #tpu.memory_space<vmem>>, vector<1x1x16xf32>,
        %get3A_357 = vector.shape_cast %get3A_356 : vector<1x1x16xf32> to vector<16xf32>
        %add3A_358 = arith.addf %scan3A_335, %get3A_357 : vector<16xf32>
        %get3A_359 = arith.constant 0 : i32
        %get3A_360 = arith.index_cast %get3A_359 : i32 to index
        %get3A_361 = arith.index_cast %add3A_345 : i32 to index
        %get3A_362 = arith.constant 32 : index
        %get3A_363 = tpu.vector_load %arg6[%get3A_360, %get3A_361, %get3A_362] {strides = array<i32>} : memref<4x200x64xf32, #tpu.memory_space<vmem>>, vector<1x1x16xf32>,
        %get3A_364 = vector.shape_cast %get3A_363 : vector<1x1x16xf32> to vector<16xf32>
        %add3A_365 = arith.addf %scan3A_336, %get3A_364 : vector<16xf32>
        %get3A_366 = arith.constant 0 : i32
        %get3A_367 = arith.index_cast %get3A_366 : i32 to index
        %get3A_368 = arith.index_cast %add3A_345 : i32 to index
        %get3A_369 = arith.constant 48 : index
        %get3A_370 = tpu.vector_load %arg6[%get3A_367, %get3A_368, %get3A_369] {strides = array<i32>} : memref<4x200x64xf32, #tpu.memory_space<vmem>>, vector<1x1x16xf32>,
        %get3A_371 = vector.shape_cast %get3A_370 : vector<1x1x16xf32> to vector<16xf32>
        %add3A_372 = arith.addf %scan3A_337, %get3A_371 : vector<16xf32>
        %mul3A_373 = arith.constant 8 : i32
        %mul3A_374 = arith.muli %scan3A_333, %mul3A_373 : i32
        %add3A_375 = arith.constant 1 : i32
        %add3A_376 = arith.addi %mul3A_374, %add3A_375 : i32
        %get3A_377 = arith.constant 0 : i32
        %get3A_378 = arith.index_cast %get3A_377 : i32 to index
        %get3A_379 = arith.index_cast %add3A_376 : i32 to index
        %get3A_380 = arith.constant 0 : index
        %get3A_381 = tpu.vector_load %arg6[%get3A_378, %get3A_379, %get3A_380] {strides = array<i32>} : memref<4x200x64xf32, #tpu.memory_space<vmem>>, vector<1x1x16xf32>,
        %get3A_382 = vector.shape_cast %get3A_381 : vector<1x1x16xf32> to vector<16xf32>
        %add3A_383 = arith.addf %scan3A_338, %get3A_382 : vector<16xf32>
        %get3A_384 = arith.constant 0 : i32
        %get3A_385 = arith.index_cast %get3A_384 : i32 to index
        %get3A_386 = arith.index_cast %add3A_376 : i32 to index
        %get3A_387 = arith.constant 16 : index
        %get3A_388 = tpu.vector_load %arg6[%get3A_385, %get3A_386, %get3A_387] {strides = array<i32>} : memref<4x200x64xf32, #tpu.memory_space<vmem>>, vector<1x1x16xf32>,
        %get3A_389 = vector.shape_cast %get3A_388 : vector<1x1x16xf32> to vector<16xf32>
        %add3A_390 = arith.addf %scan3A_339, %get3A_389 : vector<16xf32>
        %get3A_391 = arith.constant 0 : i32
        %get3A_392 = arith.index_cast %get3A_391 : i32 to index
        %get3A_393 = arith.index_cast %add3A_376 : i32 to index
        %get3A_394 = arith.constant 32 : index
        %get3A_395 = tpu.vector_load %arg6[%get3A_392, %get3A_393, %get3A_394] {strides = array<i32>} : memref<4x200x64xf32, #tpu.memory_space<vmem>>, vector<1x1x16xf32>,
        %get3A_396 = vector.shape_cast %get3A_395 : vector<1x1x16xf32> to vector<16xf32>
        %add3A_397 = arith.addf %scan3A_340, %get3A_396 : vector<16xf32>
        %get3A_398 = arith.constant 0 : i32
        %get3A_399 = arith.index_cast %get3A_398 : i32 to index
        %get3A_400 = arith.index_cast %add3A_376 : i32 to index
        %get3A_401 = arith.constant 48 : index
        %get3A_402 = tpu.vector_load %arg6[%get3A_399, %get3A_400, %get3A_401] {strides = array<i32>} : memref<4x200x64xf32, #tpu.memory_space<vmem>>, vector<1x1x16xf32>,
        %get3A_403 = vector.shape_cast %get3A_402 : vector<1x1x16xf32> to vector<16xf32>
        %add3A_404 = arith.addf %scan3A_341, %get3A_403 : vector<16xf32>
        %mul3A_405 = arith.constant 8 : i32
        %mul3A_406 = arith.muli %scan3A_333, %mul3A_405 : i32
        %add3A_407 = arith.constant 2 : i32
        %add3A_408 = arith.addi %mul3A_406, %add3A_407 : i32
        %get3A_409 = arith.constant 0 : i32
        %get3A_410 = arith.index_cast %get3A_409 : i32 to index
        %get3A_411 = arith.index_cast %add3A_408 : i32 to index
        %get3A_412 = arith.constant 0 : index
        %get3A_413 = tpu.vector_load %arg6[%get3A_410, %get3A_411, %get3A_412] {strides = array<i32>} : memref<4x200x64xf32, #tpu.memory_space<vmem>>, vector<1x1x16xf32>,
        %get3A_414 = vector.shape_cast %get3A_413 : vector<1x1x16xf32> to vector<16xf32>
        %add3A_415 = arith.addf %add3A_351, %get3A_414 : vector<16xf32>
        %get3A_416 = arith.constant 0 : i32
        %get3A_417 = arith.index_cast %get3A_416 : i32 to index
        %get3A_418 = arith.index_cast %add3A_408 : i32 to index
        %get3A_419 = arith.constant 16 : index
        %get3A_420 = tpu.vector_load %arg6[%get3A_417, %get3A_418, %get3A_419] {strides = array<i32>} : memref<4x200x64xf32, #tpu.memory_space<vmem>>, vector<1x1x16xf32>,
        %get3A_421 = vector.shape_cast %get3A_420 : vector<1x1x16xf32> to vector<16xf32>
        %add3A_422 = arith.addf %add3A_358, %get3A_421 : vector<16xf32>
        %get3A_423 = arith.constant 0 : i32
        %get3A_424 = arith.index_cast %get3A_423 : i32 to index
        %get3A_425 = arith.index_cast %add3A_408 : i32 to index
        %get3A_426 = arith.constant 32 : index
        %get3A_427 = tpu.vector_load %arg6[%get3A_424, %get3A_425, %get3A_426] {strides = array<i32>} : memref<4x200x64xf32, #tpu.memory_space<vmem>>, vector<1x1x16xf32>,
        %get3A_428 = vector.shape_cast %get3A_427 : vector<1x1x16xf32> to vector<16xf32>
        %add3A_429 = arith.addf %add3A_365, %get3A_428 : vector<16xf32>
        %get3A_430 = arith.constant 0 : i32
        %get3A_431 = arith.index_cast %get3A_430 : i32 to index
        %get3A_432 = arith.index_cast %add3A_408 : i32 to index
        %get3A_433 = arith.constant 48 : index
        %get3A_434 = tpu.vector_load %arg6[%get3A_431, %get3A_432, %get3A_433] {strides = array<i32>} : memref<4x200x64xf32, #tpu.memory_space<vmem>>, vector<1x1x16xf32>,
        %get3A_435 = vector.shape_cast %get3A_434 : vector<1x1x16xf32> to vector<16xf32>
        %add3A_436 = arith.addf %add3A_372, %get3A_435 : vector<16xf32>
        %mul3A_437 = arith.constant 8 : i32
        %mul3A_438 = arith.muli %scan3A_333, %mul3A_437 : i32
        %add3A_439 = arith.constant 3 : i32
        %add3A_440 = arith.addi %mul3A_438, %add3A_439 : i32
        %get3A_441 = arith.constant 0 : i32
        %get3A_442 = arith.index_cast %get3A_441 : i32 to index
        %get3A_443 = arith.index_cast %add3A_440 : i32 to index
        %get3A_444 = arith.constant 0 : index
        %get3A_445 = tpu.vector_load %arg6[%get3A_442, %get3A_443, %get3A_444] {strides = array<i32>} : memref<4x200x64xf32, #tpu.memory_space<vmem>>, vector<1x1x16xf32>,
        %get3A_446 = vector.shape_cast %get3A_445 : vector<1x1x16xf32> to vector<16xf32>
        %add3A_447 = arith.addf %add3A_383, %get3A_446 : vector<16xf32>
        %get3A_448 = arith.constant 0 : i32
        %get3A_449 = arith.index_cast %get3A_448 : i32 to index
        %get3A_450 = arith.index_cast %add3A_440 : i32 to index
        %get3A_451 = arith.constant 16 : index
        %get3A_452 = tpu.vector_load %arg6[%get3A_449, %get3A_450, %get3A_451] {strides = array<i32>} : memref<4x200x64xf32, #tpu.memory_space<vmem>>, vector<1x1x16xf32>,
        %get3A_453 = vector.shape_cast %get3A_452 : vector<1x1x16xf32> to vector<16xf32>
        %add3A_454 = arith.addf %add3A_390, %get3A_453 : vector<16xf32>
        %get3A_455 = arith.constant 0 : i32
        %get3A_456 = arith.index_cast %get3A_455 : i32 to index
        %get3A_457 = arith.index_cast %add3A_440 : i32 to index
        %get3A_458 = arith.constant 32 : index
        %get3A_459 = tpu.vector_load %arg6[%get3A_456, %get3A_457, %get3A_458] {strides = array<i32>} : memref<4x200x64xf32, #tpu.memory_space<vmem>>, vector<1x1x16xf32>,
        %get3A_460 = vector.shape_cast %get3A_459 : vector<1x1x16xf32> to vector<16xf32>
        %add3A_461 = arith.addf %add3A_397, %get3A_460 : vector<16xf32>
        %get3A_462 = arith.constant 0 : i32
        %get3A_463 = arith.index_cast %get3A_462 : i32 to index
        %get3A_464 = arith.index_cast %add3A_440 : i32 to index
        %get3A_465 = arith.constant 48 : index
        %get3A_466 = tpu.vector_load %arg6[%get3A_463, %get3A_464, %get3A_465] {strides = array<i32>} : memref<4x200x64xf32, #tpu.memory_space<vmem>>, vector<1x1x16xf32>,
        %get3A_467 = vector.shape_cast %get3A_466 : vector<1x1x16xf32> to vector<16xf32>
        %add3A_468 = arith.addf %add3A_404, %get3A_467 : vector<16xf32>
        %mul3A_469 = arith.constant 8 : i32
        %mul3A_470 = arith.muli %scan3A_333, %mul3A_469 : i32
        %add3A_471 = arith.constant 4 : i32
        %add3A_472 = arith.addi %mul3A_470, %add3A_471 : i32
        %get3A_473 = arith.constant 0 : i32
        %get3A_474 = arith.index_cast %get3A_473 : i32 to index
        %get3A_475 = arith.index_cast %add3A_472 : i32 to index
        %get3A_476 = arith.constant 0 : index
        %get3A_477 = tpu.vector_load %arg6[%get3A_474, %get3A_475, %get3A_476] {strides = array<i32>} : memref<4x200x64xf32, #tpu.memory_space<vmem>>, vector<1x1x16xf32>,
        %get3A_478 = vector.shape_cast %get3A_477 : vector<1x1x16xf32> to vector<16xf32>
        %add3A_479 = arith.addf %add3A_415, %get3A_478 : vector<16xf32>
        %get3A_480 = arith.constant 0 : i32
        %get3A_481 = arith.index_cast %get3A_480 : i32 to index
        %get3A_482 = arith.index_cast %add3A_472 : i32 to index
        %get3A_483 = arith.constant 16 : index
        %get3A_484 = tpu.vector_load %arg6[%get3A_481, %get3A_482, %get3A_483] {strides = array<i32>} : memref<4x200x64xf32, #tpu.memory_space<vmem>>, vector<1x1x16xf32>,
        %get3A_485 = vector.shape_cast %get3A_484 : vector<1x1x16xf32> to vector<16xf32>
        %add3A_486 = arith.addf %add3A_422, %get3A_485 : vector<16xf32>
        %get3A_487 = arith.constant 0 : i32
        %get3A_488 = arith.index_cast %get3A_487 : i32 to index
        %get3A_489 = arith.index_cast %add3A_472 : i32 to index
        %get3A_490 = arith.constant 32 : index
        %get3A_491 = tpu.vector_load %arg6[%get3A_488, %get3A_489, %get3A_490] {strides = array<i32>} : memref<4x200x64xf32, #tpu.memory_space<vmem>>, vector<1x1x16xf32>,
        %get3A_492 = vector.shape_cast %get3A_491 : vector<1x1x16xf32> to vector<16xf32>
        %add3A_493 = arith.addf %add3A_429, %get3A_492 : vector<16xf32>
        %get3A_494 = arith.constant 0 : i32
        %get3A_495 = arith.index_cast %get3A_494 : i32 to index
        %get3A_496 = arith.index_cast %add3A_472 : i32 to index
        %get3A_497 = arith.constant 48 : index
        %get3A_498 = tpu.vector_load %arg6[%get3A_495, %get3A_496, %get3A_497] {strides = array<i32>} : memref<4x200x64xf32, #tpu.memory_space<vmem>>, vector<1x1x16xf32>,
        %get3A_499 = vector.shape_cast %get3A_498 : vector<1x1x16xf32> to vector<16xf32>
        %add3A_500 = arith.addf %add3A_436, %get3A_499 : vector<16xf32>
        %mul3A_501 = arith.constant 8 : i32
        %mul3A_502 = arith.muli %scan3A_333, %mul3A_501 : i32
        %add3A_503 = arith.constant 5 : i32
        %add3A_504 = arith.addi %mul3A_502, %add3A_503 : i32
        %get3A_505 = arith.constant 0 : i32
        %get3A_506 = arith.index_cast %get3A_505 : i32 to index
        %get3A_507 = arith.index_cast %add3A_504 : i32 to index
        %get3A_508 = arith.constant 0 : index
        %get3A_509 = tpu.vector_load %arg6[%get3A_506, %get3A_507, %get3A_508] {strides = array<i32>} : memref<4x200x64xf32, #tpu.memory_space<vmem>>, vector<1x1x16xf32>,
        %get3A_510 = vector.shape_cast %get3A_509 : vector<1x1x16xf32> to vector<16xf32>
        %add3A_511 = arith.addf %add3A_447, %get3A_510 : vector<16xf32>
        %get3A_512 = arith.constant 0 : i32
        %get3A_513 = arith.index_cast %get3A_512 : i32 to index
        %get3A_514 = arith.index_cast %add3A_504 : i32 to index
        %get3A_515 = arith.constant 16 : index
        %get3A_516 = tpu.vector_load %arg6[%get3A_513, %get3A_514, %get3A_515] {strides = array<i32>} : memref<4x200x64xf32, #tpu.memory_space<vmem>>, vector<1x1x16xf32>,
        %get3A_517 = vector.shape_cast %get3A_516 : vector<1x1x16xf32> to vector<16xf32>
        %add3A_518 = arith.addf %add3A_454, %get3A_517 : vector<16xf32>
        %get3A_519 = arith.constant 0 : i32
        %get3A_520 = arith.index_cast %get3A_519 : i32 to index
        %get3A_521 = arith.index_cast %add3A_504 : i32 to index
        %get3A_522 = arith.constant 32 : index
        %get3A_523 = tpu.vector_load %arg6[%get3A_520, %get3A_521, %get3A_522] {strides = array<i32>} : memref<4x200x64xf32, #tpu.memory_space<vmem>>, vector<1x1x16xf32>,
        %get3A_524 = vector.shape_cast %get3A_523 : vector<1x1x16xf32> to vector<16xf32>
        %add3A_525 = arith.addf %add3A_461, %get3A_524 : vector<16xf32>
        %get3A_526 = arith.constant 0 : i32
        %get3A_527 = arith.index_cast %get3A_526 : i32 to index
        %get3A_528 = arith.index_cast %add3A_504 : i32 to index
        %get3A_529 = arith.constant 48 : index
        %get3A_530 = tpu.vector_load %arg6[%get3A_527, %get3A_528, %get3A_529] {strides = array<i32>} : memref<4x200x64xf32, #tpu.memory_space<vmem>>, vector<1x1x16xf32>,
        %get3A_531 = vector.shape_cast %get3A_530 : vector<1x1x16xf32> to vector<16xf32>
        %add3A_532 = arith.addf %add3A_468, %get3A_531 : vector<16xf32>
        %mul3A_533 = arith.constant 8 : i32
        %mul3A_534 = arith.muli %scan3A_333, %mul3A_533 : i32
        %add3A_535 = arith.constant 6 : i32
        %add3A_536 = arith.addi %mul3A_534, %add3A_535 : i32
        %get3A_537 = arith.constant 0 : i32
        %get3A_538 = arith.index_cast %get3A_537 : i32 to index
        %get3A_539 = arith.index_cast %add3A_536 : i32 to index
        %get3A_540 = arith.constant 0 : index
        %get3A_541 = tpu.vector_load %arg6[%get3A_538, %get3A_539, %get3A_540] {strides = array<i32>} : memref<4x200x64xf32, #tpu.memory_space<vmem>>, vector<1x1x16xf32>,
        %get3A_542 = vector.shape_cast %get3A_541 : vector<1x1x16xf32> to vector<16xf32>
        %add3A_543 = arith.addf %add3A_479, %get3A_542 : vector<16xf32>
        %get3A_544 = arith.constant 0 : i32
        %get3A_545 = arith.index_cast %get3A_544 : i32 to index
        %get3A_546 = arith.index_cast %add3A_536 : i32 to index
        %get3A_547 = arith.constant 16 : index
        %get3A_548 = tpu.vector_load %arg6[%get3A_545, %get3A_546, %get3A_547] {strides = array<i32>} : memref<4x200x64xf32, #tpu.memory_space<vmem>>, vector<1x1x16xf32>,
        %get3A_549 = vector.shape_cast %get3A_548 : vector<1x1x16xf32> to vector<16xf32>
        %add3A_550 = arith.addf %add3A_486, %get3A_549 : vector<16xf32>
        %get3A_551 = arith.constant 0 : i32
        %get3A_552 = arith.index_cast %get3A_551 : i32 to index
        %get3A_553 = arith.index_cast %add3A_536 : i32 to index
        %get3A_554 = arith.constant 32 : index
        %get3A_555 = tpu.vector_load %arg6[%get3A_552, %get3A_553, %get3A_554] {strides = array<i32>} : memref<4x200x64xf32, #tpu.memory_space<vmem>>, vector<1x1x16xf32>,
        %get3A_556 = vector.shape_cast %get3A_555 : vector<1x1x16xf32> to vector<16xf32>
        %add3A_557 = arith.addf %add3A_493, %get3A_556 : vector<16xf32>
        %get3A_558 = arith.constant 0 : i32
        %get3A_559 = arith.index_cast %get3A_558 : i32 to index
        %get3A_560 = arith.index_cast %add3A_536 : i32 to index
        %get3A_561 = arith.constant 48 : index
        %get3A_562 = tpu.vector_load %arg6[%get3A_559, %get3A_560, %get3A_561] {strides = array<i32>} : memref<4x200x64xf32, #tpu.memory_space<vmem>>, vector<1x1x16xf32>,
        %get3A_563 = vector.shape_cast %get3A_562 : vector<1x1x16xf32> to vector<16xf32>
        %add3A_564 = arith.addf %add3A_500, %get3A_563 : vector<16xf32>
        %mul3A_565 = arith.constant 8 : i32
        %mul3A_566 = arith.muli %scan3A_333, %mul3A_565 : i32
        %add3A_567 = arith.constant 7 : i32
        %add3A_568 = arith.addi %mul3A_566, %add3A_567 : i32
        %get3A_569 = arith.constant 0 : i32
        %get3A_570 = arith.index_cast %get3A_569 : i32 to index
        %get3A_571 = arith.index_cast %add3A_568 : i32 to index
        %get3A_572 = arith.constant 0 : index
        %get3A_573 = tpu.vector_load %arg6[%get3A_570, %get3A_571, %get3A_572] {strides = array<i32>} : memref<4x200x64xf32, #tpu.memory_space<vmem>>, vector<1x1x16xf32>,
        %get3A_574 = vector.shape_cast %get3A_573 : vector<1x1x16xf32> to vector<16xf32>
        %add3A_575 = arith.addf %add3A_511, %get3A_574 : vector<16xf32>
        %get3A_576 = arith.constant 0 : i32
        %get3A_577 = arith.index_cast %get3A_576 : i32 to index
        %get3A_578 = arith.index_cast %add3A_568 : i32 to index
        %get3A_579 = arith.constant 16 : index
        %get3A_580 = tpu.vector_load %arg6[%get3A_577, %get3A_578, %get3A_579] {strides = array<i32>} : memref<4x200x64xf32, #tpu.memory_space<vmem>>, vector<1x1x16xf32>,
        %get3A_581 = vector.shape_cast %get3A_580 : vector<1x1x16xf32> to vector<16xf32>
        %add3A_582 = arith.addf %add3A_518, %get3A_581 : vector<16xf32>
        %get3A_583 = arith.constant 0 : i32
        %get3A_584 = arith.index_cast %get3A_583 : i32 to index
        %get3A_585 = arith.index_cast %add3A_568 : i32 to index
        %get3A_586 = arith.constant 32 : index
        %get3A_587 = tpu.vector_load %arg6[%get3A_584, %get3A_585, %get3A_586] {strides = array<i32>} : memref<4x200x64xf32, #tpu.memory_space<vmem>>, vector<1x1x16xf32>,
        %get3A_588 = vector.shape_cast %get3A_587 : vector<1x1x16xf32> to vector<16xf32>
        %add3A_589 = arith.addf %add3A_525, %get3A_588 : vector<16xf32>
        %get3A_590 = arith.constant 0 : i32
        %get3A_591 = arith.index_cast %get3A_590 : i32 to index
        %get3A_592 = arith.index_cast %add3A_568 : i32 to index
        %get3A_593 = arith.constant 48 : index
        %get3A_594 = tpu.vector_load %arg6[%get3A_591, %get3A_592, %get3A_593] {strides = array<i32>} : memref<4x200x64xf32, #tpu.memory_space<vmem>>, vector<1x1x16xf32>,
        %get3A_595 = vector.shape_cast %get3A_594 : vector<1x1x16xf32> to vector<16xf32>
        %add3A_596 = arith.addf %add3A_532, %get3A_595 : vector<16xf32>
        scf.yield %add3A_543, %add3A_550, %add3A_557, %add3A_564, %add3A_575, %add3A_582, %add3A_589, %add3A_596 : vector<16xf32>, vector<16xf32>, vector<16xf32>, vector<16xf32>, vector<16xf32>, vector<16xf32>, vector<16xf32>, vector<16xf32>
      }
      %scan3A_130 = arith.constant 25 : i32
      %add3A_131 = arith.addf %scan3A_129#0, %scan3A_129#4 : vector<16xf32>
      %swap3A = arith.index_cast %add3A_109 : i32 to index
      %swap3A_132 = arith.constant 0 : index
      %swap3A_133 = tpu.vector_load %arg7[%swap3A, %swap3A_132] {strides = array<i32>} : memref<128x64xf32, #tpu.memory_space<vmem>>, vector<1x16xf32>,
      %swap3A_134 = vector.shape_cast %swap3A_133 : vector<1x16xf32> to vector<16xf32>
      %swap3A_135 = vector.shape_cast %add3A_131 : vector<16xf32> to vector<1x16xf32>
      tpu.vector_store %arg7[%swap3A, %swap3A_132], %swap3A_135 {strides = array<i32>} : memref<128x64xf32, #tpu.memory_space<vmem>>, vector<1x16xf32>,
      %add3A_136 = arith.addf %scan3A_129#1, %scan3A_129#5 : vector<16xf32>
      %swap3A_137 = arith.index_cast %add3A_109 : i32 to index
      %swap3A_138 = arith.constant 16 : index
      %swap3A_139 = tpu.vector_load %arg7[%swap3A_137, %swap3A_138] {strides = array<i32>} : memref<128x64xf32, #tpu.memory_space<vmem>>, vector<1x16xf32>,
      %swap3A_140 = vector.shape_cast %swap3A_139 : vector<1x16xf32> to vector<16xf32>
      %swap3A_141 = vector.shape_cast %add3A_136 : vector<16xf32> to vector<1x16xf32>
      tpu.vector_store %arg7[%swap3A_137, %swap3A_138], %swap3A_141 {strides = array<i32>} : memref<128x64xf32, #tpu.memory_space<vmem>>, vector<1x16xf32>,
      %add3A_142 = arith.addf %scan3A_129#2, %scan3A_129#6 : vector<16xf32>
      %swap3A_143 = arith.index_cast %add3A_109 : i32 to index
      %swap3A_144 = arith.constant 32 : index
      %swap3A_145 = tpu.vector_load %arg7[%swap3A_143, %swap3A_144] {strides = array<i32>} : memref<128x64xf32, #tpu.memory_space<vmem>>, vector<1x16xf32>,
      %swap3A_146 = vector.shape_cast %swap3A_145 : vector<1x16xf32> to vector<16xf32>
      %swap3A_147 = vector.shape_cast %add3A_142 : vector<16xf32> to vector<1x16xf32>
      tpu.vector_store %arg7[%swap3A_143, %swap3A_144], %swap3A_147 {strides = array<i32>} : memref<128x64xf32, #tpu.memory_space<vmem>>, vector<1x16xf32>,
      %add3A_148 = arith.addf %scan3A_129#3, %scan3A_129#7 : vector<16xf32>
      %swap3A_149 = arith.index_cast %add3A_109 : i32 to index
      %swap3A_150 = arith.constant 48 : index
      %swap3A_151 = tpu.vector_load %arg7[%swap3A_149, %swap3A_150] {strides = array<i32>} : memref<128x64xf32, #tpu.memory_space<vmem>>, vector<1x16xf32>,
      %swap3A_152 = vector.shape_cast %swap3A_151 : vector<1x16xf32> to vector<16xf32>
      %swap3A_153 = vector.shape_cast %add3A_148 : vector<16xf32> to vector<1x16xf32>
      tpu.vector_store %arg7[%swap3A_149, %swap3A_150], %swap3A_153 {strides = array<i32>} : memref<128x64xf32, #tpu.memory_space<vmem>>, vector<1x16xf32>,
      %add3A_154 = arith.constant 4 : i32
      %add3A_155 = arith.addi %add3A_109, %add3A_154 : i32
      %lt3A = arith.constant 128 : i32
      %lt3A_156 = arith.cmpi slt, %add3A_155, %lt3A : i32
      %convert_element_type3A = arith.extui %lt3A_156 : i1 to i32
      %cond3A = arith.constant 0 : i32
      %cond3A_157 = arith.cmpi ne, %convert_element_type3A, %cond3A : i32
      scf.if %cond3A_157 {
        %add3A_333 = arith.constant 4 : i32
        %add3A_334 = arith.addi %add3A_109, %add3A_333 : i32
        %dma_start3A_335 = arith.constant 0 : i32
        %dma_start3A_336 = arith.constant 0 : i32
        %dma_start3A_337 = arith.constant 0 : i32
        %dma_start3A_338 = tpu.memref_slice %arg6[%dma_start3A_335, %dma_start3A_336, %dma_start3A_337] : memref<4x200x64xf32, #tpu.memory_space<vmem>> -> memref<1x104x64xf32, #tpu.memory_space<vmem>>
        %dma_start3A_339 = tpu.memref_squeeze %dma_start3A_338 : memref<1x104x64xf32, #tpu.memory_space<vmem>> -> memref<104x64xf32, #tpu.memory_space<vmem>>
        %dma_start3A_340 = arith.constant 0 : i32
        %dma_start3A_341 = tpu.memref_slice %arg5[%add3A_334, %dma_start3A_340] : memref<128x200xi32, #tpu.memory_space<vmem>> -> memref<1x104xi32, #tpu.memory_space<vmem>>
        %dma_start3A_342 = tpu.memref_squeeze %dma_start3A_341 : memref<1x104xi32, #tpu.memory_space<vmem>> -> memref<104xi32, #tpu.memory_space<vmem>>
        %dma_start3A_343 = arith.constant 0 : i32
        %dma_start3A_344 = arith.constant 0 : i32
        %dma_start3A_345 = tpu.memref_slice %arg3[%dma_start3A_343, %dma_start3A_344] : memref<1007616x64xf32, #tpu.memory_space<hbm>> -> memref<1007616x64xf32, #tpu.memory_space<hbm>>
        tpu.enqueue_indirect_dma source(%dma_start3A_345 : memref<1007616x64xf32, #tpu.memory_space<hbm>>) target(%dma_start3A_339 : memref<104x64xf32, #tpu.memory_space<vmem>>) offsets(%dma_start3A_342 : memref<104xi32, #tpu.memory_space<vmem>>) semaphore(%arg8 : memref<!tpu.dma_semaphore, #tpu.memory_space<semaphore_mem>>)
        %dma_start3A_346 = arith.constant 0 : i32
        %dma_start3A_347 = arith.constant 104 : i32
        %dma_start3A_348 = arith.constant 0 : i32
        %dma_start3A_349 = tpu.memref_slice %arg6[%dma_start3A_346, %dma_start3A_347, %dma_start3A_348] : memref<4x200x64xf32, #tpu.memory_space<vmem>> -> memref<1x96x64xf32, #tpu.memory_space<vmem>>
        %dma_start3A_350 = tpu.memref_squeeze %dma_start3A_349 : memref<1x96x64xf32, #tpu.memory_space<vmem>> -> memref<96x64xf32, #tpu.memory_space<vmem>>
        %dma_start3A_351 = arith.constant 104 : i32
        %dma_start3A_352 = tpu.memref_slice %arg5[%add3A_334, %dma_start3A_351] : memref<128x200xi32, #tpu.memory_space<vmem>> -> memref<1x96xi32, #tpu.memory_space<vmem>>
        %dma_start3A_353 = tpu.memref_squeeze %dma_start3A_352 : memref<1x96xi32, #tpu.memory_space<vmem>> -> memref<96xi32, #tpu.memory_space<vmem>>
        %dma_start3A_354 = arith.constant 0 : i32
        %dma_start3A_355 = arith.constant 0 : i32
        %dma_start3A_356 = tpu.memref_slice %arg3[%dma_start3A_354, %dma_start3A_355] : memref<1007616x64xf32, #tpu.memory_space<hbm>> -> memref<1007616x64xf32, #tpu.memory_space<hbm>>
        tpu.enqueue_indirect_dma source(%dma_start3A_356 : memref<1007616x64xf32, #tpu.memory_space<hbm>>) target(%dma_start3A_350 : memref<96x64xf32, #tpu.memory_space<vmem>>) offsets(%dma_start3A_353 : memref<96xi32, #tpu.memory_space<vmem>>) semaphore(%arg8 : memref<!tpu.dma_semaphore, #tpu.memory_space<semaphore_mem>>)
      } else {
      }
      %mul3A_158 = arith.constant 4 : i32
      %mul3A_159 = arith.muli %scan3A_104, %mul3A_158 : i32
      %add3A_160 = arith.constant 1 : i32
      %add3A_161 = arith.addi %mul3A_159, %add3A_160 : i32
      %dma_wait3A_162 = arith.constant 1 : i32
      %dma_wait3A_163 = arith.constant 0 : i32
      %dma_wait3A_164 = arith.constant 0 : i32
      %dma_wait3A_165 = tpu.memref_slice %arg6[%dma_wait3A_162, %dma_wait3A_163, %dma_wait3A_164] : memref<4x200x64xf32, #tpu.memory_space<vmem>> -> memref<1x200x64xf32, #tpu.memory_space<vmem>>
      %dma_wait3A_166 = tpu.memref_squeeze %dma_wait3A_165 : memref<1x200x64xf32, #tpu.memory_space<vmem>> -> memref<200x64xf32, #tpu.memory_space<vmem>>
      %dma_wait3A_167 = arith.constant 0 : i32
      %dma_wait3A_168 = arith.constant 0 : i32
      %dma_wait3A_169 = tpu.memref_slice %arg3[%dma_wait3A_167, %dma_wait3A_168] : memref<1007616x64xf32, #tpu.memory_space<hbm>> -> memref<200x64xf32, #tpu.memory_space<hbm>>
      %dma_wait3A_170 = arith.constant 0 : i32
      %dma_wait3A_171 = arith.constant 0 : i32
      %dma_wait3A_172 = tpu.memref_slice %arg6[%dma_wait3A_162, %dma_wait3A_170, %dma_wait3A_171] : memref<4x200x64xf32, #tpu.memory_space<vmem>> -> memref<1x200x64xf32, #tpu.memory_space<vmem>>
      %dma_wait3A_173 = tpu.memref_squeeze %dma_wait3A_172 : memref<1x200x64xf32, #tpu.memory_space<vmem>> -> memref<200x64xf32, #tpu.memory_space<vmem>>
      %dma_wait3A_174 = arith.constant 0 : i32
      %dma_wait3A_175 = arith.constant 0 : i32
      %dma_wait3A_176 = tpu.memref_slice %arg3[%dma_wait3A_174, %dma_wait3A_175] : memref<1007616x64xf32, #tpu.memory_space<hbm>> -> memref<200x64xf32, #tpu.memory_space<hbm>>
      tpu.wait_dma2 semaphore(%arg9 : memref<!tpu.dma_semaphore, #tpu.memory_space<semaphore_mem>>) src(%dma_wait3A_176 : memref<200x64xf32, #tpu.memory_space<hbm>>) dst(%dma_wait3A_173 : memref<200x64xf32, #tpu.memory_space<vmem>>)
      %broadcast_in_dim3A_177 = arith.constant 0.000000e+00 : f32
      %broadcast_in_dim3A_178 = vector.broadcast %broadcast_in_dim3A_177 : f32 to vector<16xf32>
      %scan3A_179 = arith.constant 0 : i32
      %scan3A_180 = arith.constant 25 : i32
      %scan3A_181 = arith.addi %scan3A_179, %scan3A_180 : i32
      %scan3A_182 = arith.constant 1 : i32
      %scan3A_183:8 = scf.for %scan3A_333 = %scan3A_179 to %scan3A_181 step %scan3A_182 iter_args(%scan3A_334 = %broadcast_in_dim3A_178, %scan3A_335 = %broadcast_in_dim3A_178, %scan3A_336 = %broadcast_in_dim3A_178, %scan3A_337 = %broadcast_in_dim3A_178, %scan3A_338 = %broadcast_in_dim3A_178, %scan3A_339 = %broadcast_in_dim3A_178, %scan3A_340 = %broadcast_in_dim3A_178, %scan3A_341 = %broadcast_in_dim3A_178) -> (vector<16xf32>, vector<16xf32>, vector<16xf32>, vector<16xf32>, vector<16xf32>, vector<16xf32>, vector<16xf32>, vector<16xf32>)  : i32 {
        %mul3A_342 = arith.constant 8 : i32
        %mul3A_343 = arith.muli %scan3A_333, %mul3A_342 : i32
        %add3A_344 = arith.constant 0 : i32
        %add3A_345 = arith.addi %mul3A_343, %add3A_344 : i32
        %get3A = arith.constant 1 : i32
        %get3A_346 = arith.index_cast %get3A : i32 to index
        %get3A_347 = arith.index_cast %add3A_345 : i32 to index
        %get3A_348 = arith.constant 0 : index
        %get3A_349 = tpu.vector_load %arg6[%get3A_346, %get3A_347, %get3A_348] {strides = array<i32>} : memref<4x200x64xf32, #tpu.memory_space<vmem>>, vector<1x1x16xf32>,
        %get3A_350 = vector.shape_cast %get3A_349 : vector<1x1x16xf32> to vector<16xf32>
        %add3A_351 = arith.addf %scan3A_334, %get3A_350 : vector<16xf32>
        %get3A_352 = arith.constant 1 : i32
        %get3A_353 = arith.index_cast %get3A_352 : i32 to index
        %get3A_354 = arith.index_cast %add3A_345 : i32 to index
        %get3A_355 = arith.constant 16 : index
        %get3A_356 = tpu.vector_load %arg6[%get3A_353, %get3A_354, %get3A_355] {strides = array<i32>} : memref<4x200x64xf32, #tpu.memory_space<vmem>>, vector<1x1x16xf32>,
        %get3A_357 = vector.shape_cast %get3A_356 : vector<1x1x16xf32> to vector<16xf32>
        %add3A_358 = arith.addf %scan3A_335, %get3A_357 : vector<16xf32>
        %get3A_359 = arith.constant 1 : i32
        %get3A_360 = arith.index_cast %get3A_359 : i32 to index
        %get3A_361 = arith.index_cast %add3A_345 : i32 to index
        %get3A_362 = arith.constant 32 : index
        %get3A_363 = tpu.vector_load %arg6[%get3A_360, %get3A_361, %get3A_362] {strides = array<i32>} : memref<4x200x64xf32, #tpu.memory_space<vmem>>, vector<1x1x16xf32>,
        %get3A_364 = vector.shape_cast %get3A_363 : vector<1x1x16xf32> to vector<16xf32>
        %add3A_365 = arith.addf %scan3A_336, %get3A_364 : vector<16xf32>
        %get3A_366 = arith.constant 1 : i32
        %get3A_367 = arith.index_cast %get3A_366 : i32 to index
        %get3A_368 = arith.index_cast %add3A_345 : i32 to index
        %get3A_369 = arith.constant 48 : index
        %get3A_370 = tpu.vector_load %arg6[%get3A_367, %get3A_368, %get3A_369] {strides = array<i32>} : memref<4x200x64xf32, #tpu.memory_space<vmem>>, vector<1x1x16xf32>,
        %get3A_371 = vector.shape_cast %get3A_370 : vector<1x1x16xf32> to vector<16xf32>
        %add3A_372 = arith.addf %scan3A_337, %get3A_371 : vector<16xf32>
        %mul3A_373 = arith.constant 8 : i32
        %mul3A_374 = arith.muli %scan3A_333, %mul3A_373 : i32
        %add3A_375 = arith.constant 1 : i32
        %add3A_376 = arith.addi %mul3A_374, %add3A_375 : i32
        %get3A_377 = arith.constant 1 : i32
        %get3A_378 = arith.index_cast %get3A_377 : i32 to index
        %get3A_379 = arith.index_cast %add3A_376 : i32 to index
        %get3A_380 = arith.constant 0 : index
        %get3A_381 = tpu.vector_load %arg6[%get3A_378, %get3A_379, %get3A_380] {strides = array<i32>} : memref<4x200x64xf32, #tpu.memory_space<vmem>>, vector<1x1x16xf32>,
        %get3A_382 = vector.shape_cast %get3A_381 : vector<1x1x16xf32> to vector<16xf32>
        %add3A_383 = arith.addf %scan3A_338, %get3A_382 : vector<16xf32>
        %get3A_384 = arith.constant 1 : i32
        %get3A_385 = arith.index_cast %get3A_384 : i32 to index
        %get3A_386 = arith.index_cast %add3A_376 : i32 to index
        %get3A_387 = arith.constant 16 : index
        %get3A_388 = tpu.vector_load %arg6[%get3A_385, %get3A_386, %get3A_387] {strides = array<i32>} : memref<4x200x64xf32, #tpu.memory_space<vmem>>, vector<1x1x16xf32>,
        %get3A_389 = vector.shape_cast %get3A_388 : vector<1x1x16xf32> to vector<16xf32>
        %add3A_390 = arith.addf %scan3A_339, %get3A_389 : vector<16xf32>
        %get3A_391 = arith.constant 1 : i32
        %get3A_392 = arith.index_cast %get3A_391 : i32 to index
        %get3A_393 = arith.index_cast %add3A_376 : i32 to index
        %get3A_394 = arith.constant 32 : index
        %get3A_395 = tpu.vector_load %arg6[%get3A_392, %get3A_393, %get3A_394] {strides = array<i32>} : memref<4x200x64xf32, #tpu.memory_space<vmem>>, vector<1x1x16xf32>,
        %get3A_396 = vector.shape_cast %get3A_395 : vector<1x1x16xf32> to vector<16xf32>
        %add3A_397 = arith.addf %scan3A_340, %get3A_396 : vector<16xf32>
        %get3A_398 = arith.constant 1 : i32
        %get3A_399 = arith.index_cast %get3A_398 : i32 to index
        %get3A_400 = arith.index_cast %add3A_376 : i32 to index
        %get3A_401 = arith.constant 48 : index
        %get3A_402 = tpu.vector_load %arg6[%get3A_399, %get3A_400, %get3A_401] {strides = array<i32>} : memref<4x200x64xf32, #tpu.memory_space<vmem>>, vector<1x1x16xf32>,
        %get3A_403 = vector.shape_cast %get3A_402 : vector<1x1x16xf32> to vector<16xf32>
        %add3A_404 = arith.addf %scan3A_341, %get3A_403 : vector<16xf32>
        %mul3A_405 = arith.constant 8 : i32
        %mul3A_406 = arith.muli %scan3A_333, %mul3A_405 : i32
        %add3A_407 = arith.constant 2 : i32
        %add3A_408 = arith.addi %mul3A_406, %add3A_407 : i32
        %get3A_409 = arith.constant 1 : i32
        %get3A_410 = arith.index_cast %get3A_409 : i32 to index
        %get3A_411 = arith.index_cast %add3A_408 : i32 to index
        %get3A_412 = arith.constant 0 : index
        %get3A_413 = tpu.vector_load %arg6[%get3A_410, %get3A_411, %get3A_412] {strides = array<i32>} : memref<4x200x64xf32, #tpu.memory_space<vmem>>, vector<1x1x16xf32>,
        %get3A_414 = vector.shape_cast %get3A_413 : vector<1x1x16xf32> to vector<16xf32>
        %add3A_415 = arith.addf %add3A_351, %get3A_414 : vector<16xf32>
        %get3A_416 = arith.constant 1 : i32
        %get3A_417 = arith.index_cast %get3A_416 : i32 to index
        %get3A_418 = arith.index_cast %add3A_408 : i32 to index
        %get3A_419 = arith.constant 16 : index
        %get3A_420 = tpu.vector_load %arg6[%get3A_417, %get3A_418, %get3A_419] {strides = array<i32>} : memref<4x200x64xf32, #tpu.memory_space<vmem>>, vector<1x1x16xf32>,
        %get3A_421 = vector.shape_cast %get3A_420 : vector<1x1x16xf32> to vector<16xf32>
        %add3A_422 = arith.addf %add3A_358, %get3A_421 : vector<16xf32>
        %get3A_423 = arith.constant 1 : i32
        %get3A_424 = arith.index_cast %get3A_423 : i32 to index
        %get3A_425 = arith.index_cast %add3A_408 : i32 to index
        %get3A_426 = arith.constant 32 : index
        %get3A_427 = tpu.vector_load %arg6[%get3A_424, %get3A_425, %get3A_426] {strides = array<i32>} : memref<4x200x64xf32, #tpu.memory_space<vmem>>, vector<1x1x16xf32>,
        %get3A_428 = vector.shape_cast %get3A_427 : vector<1x1x16xf32> to vector<16xf32>
        %add3A_429 = arith.addf %add3A_365, %get3A_428 : vector<16xf32>
        %get3A_430 = arith.constant 1 : i32
        %get3A_431 = arith.index_cast %get3A_430 : i32 to index
        %get3A_432 = arith.index_cast %add3A_408 : i32 to index
        %get3A_433 = arith.constant 48 : index
        %get3A_434 = tpu.vector_load %arg6[%get3A_431, %get3A_432, %get3A_433] {strides = array<i32>} : memref<4x200x64xf32, #tpu.memory_space<vmem>>, vector<1x1x16xf32>,
        %get3A_435 = vector.shape_cast %get3A_434 : vector<1x1x16xf32> to vector<16xf32>
        %add3A_436 = arith.addf %add3A_372, %get3A_435 : vector<16xf32>
        %mul3A_437 = arith.constant 8 : i32
        %mul3A_438 = arith.muli %scan3A_333, %mul3A_437 : i32
        %add3A_439 = arith.constant 3 : i32
        %add3A_440 = arith.addi %mul3A_438, %add3A_439 : i32
        %get3A_441 = arith.constant 1 : i32
        %get3A_442 = arith.index_cast %get3A_441 : i32 to index
        %get3A_443 = arith.index_cast %add3A_440 : i32 to index
        %get3A_444 = arith.constant 0 : index
        %get3A_445 = tpu.vector_load %arg6[%get3A_442, %get3A_443, %get3A_444] {strides = array<i32>} : memref<4x200x64xf32, #tpu.memory_space<vmem>>, vector<1x1x16xf32>,
        %get3A_446 = vector.shape_cast %get3A_445 : vector<1x1x16xf32> to vector<16xf32>
        %add3A_447 = arith.addf %add3A_383, %get3A_446 : vector<16xf32>
        %get3A_448 = arith.constant 1 : i32
        %get3A_449 = arith.index_cast %get3A_448 : i32 to index
        %get3A_450 = arith.index_cast %add3A_440 : i32 to index
        %get3A_451 = arith.constant 16 : index
        %get3A_452 = tpu.vector_load %arg6[%get3A_449, %get3A_450, %get3A_451] {strides = array<i32>} : memref<4x200x64xf32, #tpu.memory_space<vmem>>, vector<1x1x16xf32>,
        %get3A_453 = vector.shape_cast %get3A_452 : vector<1x1x16xf32> to vector<16xf32>
        %add3A_454 = arith.addf %add3A_390, %get3A_453 : vector<16xf32>
        %get3A_455 = arith.constant 1 : i32
        %get3A_456 = arith.index_cast %get3A_455 : i32 to index
        %get3A_457 = arith.index_cast %add3A_440 : i32 to index
        %get3A_458 = arith.constant 32 : index
        %get3A_459 = tpu.vector_load %arg6[%get3A_456, %get3A_457, %get3A_458] {strides = array<i32>} : memref<4x200x64xf32, #tpu.memory_space<vmem>>, vector<1x1x16xf32>,
        %get3A_460 = vector.shape_cast %get3A_459 : vector<1x1x16xf32> to vector<16xf32>
        %add3A_461 = arith.addf %add3A_397, %get3A_460 : vector<16xf32>
        %get3A_462 = arith.constant 1 : i32
        %get3A_463 = arith.index_cast %get3A_462 : i32 to index
        %get3A_464 = arith.index_cast %add3A_440 : i32 to index
        %get3A_465 = arith.constant 48 : index
        %get3A_466 = tpu.vector_load %arg6[%get3A_463, %get3A_464, %get3A_465] {strides = array<i32>} : memref<4x200x64xf32, #tpu.memory_space<vmem>>, vector<1x1x16xf32>,
        %get3A_467 = vector.shape_cast %get3A_466 : vector<1x1x16xf32> to vector<16xf32>
        %add3A_468 = arith.addf %add3A_404, %get3A_467 : vector<16xf32>
        %mul3A_469 = arith.constant 8 : i32
        %mul3A_470 = arith.muli %scan3A_333, %mul3A_469 : i32
        %add3A_471 = arith.constant 4 : i32
        %add3A_472 = arith.addi %mul3A_470, %add3A_471 : i32
        %get3A_473 = arith.constant 1 : i32
        %get3A_474 = arith.index_cast %get3A_473 : i32 to index
        %get3A_475 = arith.index_cast %add3A_472 : i32 to index
        %get3A_476 = arith.constant 0 : index
        %get3A_477 = tpu.vector_load %arg6[%get3A_474, %get3A_475, %get3A_476] {strides = array<i32>} : memref<4x200x64xf32, #tpu.memory_space<vmem>>, vector<1x1x16xf32>,
        %get3A_478 = vector.shape_cast %get3A_477 : vector<1x1x16xf32> to vector<16xf32>
        %add3A_479 = arith.addf %add3A_415, %get3A_478 : vector<16xf32>
        %get3A_480 = arith.constant 1 : i32
        %get3A_481 = arith.index_cast %get3A_480 : i32 to index
        %get3A_482 = arith.index_cast %add3A_472 : i32 to index
        %get3A_483 = arith.constant 16 : index
        %get3A_484 = tpu.vector_load %arg6[%get3A_481, %get3A_482, %get3A_483] {strides = array<i32>} : memref<4x200x64xf32, #tpu.memory_space<vmem>>, vector<1x1x16xf32>,
        %get3A_485 = vector.shape_cast %get3A_484 : vector<1x1x16xf32> to vector<16xf32>
        %add3A_486 = arith.addf %add3A_422, %get3A_485 : vector<16xf32>
        %get3A_487 = arith.constant 1 : i32
        %get3A_488 = arith.index_cast %get3A_487 : i32 to index
        %get3A_489 = arith.index_cast %add3A_472 : i32 to index
        %get3A_490 = arith.constant 32 : index
        %get3A_491 = tpu.vector_load %arg6[%get3A_488, %get3A_489, %get3A_490] {strides = array<i32>} : memref<4x200x64xf32, #tpu.memory_space<vmem>>, vector<1x1x16xf32>,
        %get3A_492 = vector.shape_cast %get3A_491 : vector<1x1x16xf32> to vector<16xf32>
        %add3A_493 = arith.addf %add3A_429, %get3A_492 : vector<16xf32>
        %get3A_494 = arith.constant 1 : i32
        %get3A_495 = arith.index_cast %get3A_494 : i32 to index
        %get3A_496 = arith.index_cast %add3A_472 : i32 to index
        %get3A_497 = arith.constant 48 : index
        %get3A_498 = tpu.vector_load %arg6[%get3A_495, %get3A_496, %get3A_497] {strides = array<i32>} : memref<4x200x64xf32, #tpu.memory_space<vmem>>, vector<1x1x16xf32>,
        %get3A_499 = vector.shape_cast %get3A_498 : vector<1x1x16xf32> to vector<16xf32>
        %add3A_500 = arith.addf %add3A_436, %get3A_499 : vector<16xf32>
        %mul3A_501 = arith.constant 8 : i32
        %mul3A_502 = arith.muli %scan3A_333, %mul3A_501 : i32
        %add3A_503 = arith.constant 5 : i32
        %add3A_504 = arith.addi %mul3A_502, %add3A_503 : i32
        %get3A_505 = arith.constant 1 : i32
        %get3A_506 = arith.index_cast %get3A_505 : i32 to index
        %get3A_507 = arith.index_cast %add3A_504 : i32 to index
        %get3A_508 = arith.constant 0 : index
        %get3A_509 = tpu.vector_load %arg6[%get3A_506, %get3A_507, %get3A_508] {strides = array<i32>} : memref<4x200x64xf32, #tpu.memory_space<vmem>>, vector<1x1x16xf32>,
        %get3A_510 = vector.shape_cast %get3A_509 : vector<1x1x16xf32> to vector<16xf32>
        %add3A_511 = arith.addf %add3A_447, %get3A_510 : vector<16xf32>
        %get3A_512 = arith.constant 1 : i32
        %get3A_513 = arith.index_cast %get3A_512 : i32 to index
        %get3A_514 = arith.index_cast %add3A_504 : i32 to index
        %get3A_515 = arith.constant 16 : index
        %get3A_516 = tpu.vector_load %arg6[%get3A_513, %get3A_514, %get3A_515] {strides = array<i32>} : memref<4x200x64xf32, #tpu.memory_space<vmem>>, vector<1x1x16xf32>,
        %get3A_517 = vector.shape_cast %get3A_516 : vector<1x1x16xf32> to vector<16xf32>
        %add3A_518 = arith.addf %add3A_454, %get3A_517 : vector<16xf32>
        %get3A_519 = arith.constant 1 : i32
        %get3A_520 = arith.index_cast %get3A_519 : i32 to index
        %get3A_521 = arith.index_cast %add3A_504 : i32 to index
        %get3A_522 = arith.constant 32 : index
        %get3A_523 = tpu.vector_load %arg6[%get3A_520, %get3A_521, %get3A_522] {strides = array<i32>} : memref<4x200x64xf32, #tpu.memory_space<vmem>>, vector<1x1x16xf32>,
        %get3A_524 = vector.shape_cast %get3A_523 : vector<1x1x16xf32> to vector<16xf32>
        %add3A_525 = arith.addf %add3A_461, %get3A_524 : vector<16xf32>
        %get3A_526 = arith.constant 1 : i32
        %get3A_527 = arith.index_cast %get3A_526 : i32 to index
        %get3A_528 = arith.index_cast %add3A_504 : i32 to index
        %get3A_529 = arith.constant 48 : index
        %get3A_530 = tpu.vector_load %arg6[%get3A_527, %get3A_528, %get3A_529] {strides = array<i32>} : memref<4x200x64xf32, #tpu.memory_space<vmem>>, vector<1x1x16xf32>,
        %get3A_531 = vector.shape_cast %get3A_530 : vector<1x1x16xf32> to vector<16xf32>
        %add3A_532 = arith.addf %add3A_468, %get3A_531 : vector<16xf32>
        %mul3A_533 = arith.constant 8 : i32
        %mul3A_534 = arith.muli %scan3A_333, %mul3A_533 : i32
        %add3A_535 = arith.constant 6 : i32
        %add3A_536 = arith.addi %mul3A_534, %add3A_535 : i32
        %get3A_537 = arith.constant 1 : i32
        %get3A_538 = arith.index_cast %get3A_537 : i32 to index
        %get3A_539 = arith.index_cast %add3A_536 : i32 to index
        %get3A_540 = arith.constant 0 : index
        %get3A_541 = tpu.vector_load %arg6[%get3A_538, %get3A_539, %get3A_540] {strides = array<i32>} : memref<4x200x64xf32, #tpu.memory_space<vmem>>, vector<1x1x16xf32>,
        %get3A_542 = vector.shape_cast %get3A_541 : vector<1x1x16xf32> to vector<16xf32>
        %add3A_543 = arith.addf %add3A_479, %get3A_542 : vector<16xf32>
        %get3A_544 = arith.constant 1 : i32
        %get3A_545 = arith.index_cast %get3A_544 : i32 to index
        %get3A_546 = arith.index_cast %add3A_536 : i32 to index
        %get3A_547 = arith.constant 16 : index
        %get3A_548 = tpu.vector_load %arg6[%get3A_545, %get3A_546, %get3A_547] {strides = array<i32>} : memref<4x200x64xf32, #tpu.memory_space<vmem>>, vector<1x1x16xf32>,
        %get3A_549 = vector.shape_cast %get3A_548 : vector<1x1x16xf32> to vector<16xf32>
        %add3A_550 = arith.addf %add3A_486, %get3A_549 : vector<16xf32>
        %get3A_551 = arith.constant 1 : i32
        %get3A_552 = arith.index_cast %get3A_551 : i32 to index
        %get3A_553 = arith.index_cast %add3A_536 : i32 to index
        %get3A_554 = arith.constant 32 : index
        %get3A_555 = tpu.vector_load %arg6[%get3A_552, %get3A_553, %get3A_554] {strides = array<i32>} : memref<4x200x64xf32, #tpu.memory_space<vmem>>, vector<1x1x16xf32>,
        %get3A_556 = vector.shape_cast %get3A_555 : vector<1x1x16xf32> to vector<16xf32>
        %add3A_557 = arith.addf %add3A_493, %get3A_556 : vector<16xf32>
        %get3A_558 = arith.constant 1 : i32
        %get3A_559 = arith.index_cast %get3A_558 : i32 to index
        %get3A_560 = arith.index_cast %add3A_536 : i32 to index
        %get3A_561 = arith.constant 48 : index
        %get3A_562 = tpu.vector_load %arg6[%get3A_559, %get3A_560, %get3A_561] {strides = array<i32>} : memref<4x200x64xf32, #tpu.memory_space<vmem>>, vector<1x1x16xf32>,
        %get3A_563 = vector.shape_cast %get3A_562 : vector<1x1x16xf32> to vector<16xf32>
        %add3A_564 = arith.addf %add3A_500, %get3A_563 : vector<16xf32>
        %mul3A_565 = arith.constant 8 : i32
        %mul3A_566 = arith.muli %scan3A_333, %mul3A_565 : i32
        %add3A_567 = arith.constant 7 : i32
        %add3A_568 = arith.addi %mul3A_566, %add3A_567 : i32
        %get3A_569 = arith.constant 1 : i32
        %get3A_570 = arith.index_cast %get3A_569 : i32 to index
        %get3A_571 = arith.index_cast %add3A_568 : i32 to index
        %get3A_572 = arith.constant 0 : index
        %get3A_573 = tpu.vector_load %arg6[%get3A_570, %get3A_571, %get3A_572] {strides = array<i32>} : memref<4x200x64xf32, #tpu.memory_space<vmem>>, vector<1x1x16xf32>,
        %get3A_574 = vector.shape_cast %get3A_573 : vector<1x1x16xf32> to vector<16xf32>
        %add3A_575 = arith.addf %add3A_511, %get3A_574 : vector<16xf32>
        %get3A_576 = arith.constant 1 : i32
        %get3A_577 = arith.index_cast %get3A_576 : i32 to index
        %get3A_578 = arith.index_cast %add3A_568 : i32 to index
        %get3A_579 = arith.constant 16 : index
        %get3A_580 = tpu.vector_load %arg6[%get3A_577, %get3A_578, %get3A_579] {strides = array<i32>} : memref<4x200x64xf32, #tpu.memory_space<vmem>>, vector<1x1x16xf32>,
        %get3A_581 = vector.shape_cast %get3A_580 : vector<1x1x16xf32> to vector<16xf32>
        %add3A_582 = arith.addf %add3A_518, %get3A_581 : vector<16xf32>
        %get3A_583 = arith.constant 1 : i32
        %get3A_584 = arith.index_cast %get3A_583 : i32 to index
        %get3A_585 = arith.index_cast %add3A_568 : i32 to index
        %get3A_586 = arith.constant 32 : index
        %get3A_587 = tpu.vector_load %arg6[%get3A_584, %get3A_585, %get3A_586] {strides = array<i32>} : memref<4x200x64xf32, #tpu.memory_space<vmem>>, vector<1x1x16xf32>,
        %get3A_588 = vector.shape_cast %get3A_587 : vector<1x1x16xf32> to vector<16xf32>
        %add3A_589 = arith.addf %add3A_525, %get3A_588 : vector<16xf32>
        %get3A_590 = arith.constant 1 : i32
        %get3A_591 = arith.index_cast %get3A_590 : i32 to index
        %get3A_592 = arith.index_cast %add3A_568 : i32 to index
        %get3A_593 = arith.constant 48 : index
        %get3A_594 = tpu.vector_load %arg6[%get3A_591, %get3A_592, %get3A_593] {strides = array<i32>} : memref<4x200x64xf32, #tpu.memory_space<vmem>>, vector<1x1x16xf32>,
        %get3A_595 = vector.shape_cast %get3A_594 : vector<1x1x16xf32> to vector<16xf32>
        %add3A_596 = arith.addf %add3A_532, %get3A_595 : vector<16xf32>
        scf.yield %add3A_543, %add3A_550, %add3A_557, %add3A_564, %add3A_575, %add3A_582, %add3A_589, %add3A_596 : vector<16xf32>, vector<16xf32>, vector<16xf32>, vector<16xf32>, vector<16xf32>, vector<16xf32>, vector<16xf32>, vector<16xf32>
      }
      %scan3A_184 = arith.constant 25 : i32
      %add3A_185 = arith.addf %scan3A_183#0, %scan3A_183#4 : vector<16xf32>
      %swap3A_186 = arith.index_cast %add3A_161 : i32 to index
      %swap3A_187 = arith.constant 0 : index
      %swap3A_188 = tpu.vector_load %arg7[%swap3A_186, %swap3A_187] {strides = array<i32>} : memref<128x64xf32, #tpu.memory_space<vmem>>, vector<1x16xf32>,
      %swap3A_189 = vector.shape_cast %swap3A_188 : vector<1x16xf32> to vector<16xf32>
      %swap3A_190 = vector.shape_cast %add3A_185 : vector<16xf32> to vector<1x16xf32>
      tpu.vector_store %arg7[%swap3A_186, %swap3A_187], %swap3A_190 {strides = array<i32>} : memref<128x64xf32, #tpu.memory_space<vmem>>, vector<1x16xf32>,
      %add3A_191 = arith.addf %scan3A_183#1, %scan3A_183#5 : vector<16xf32>
      %swap3A_192 = arith.index_cast %add3A_161 : i32 to index
      %swap3A_193 = arith.constant 16 : index
      %swap3A_194 = tpu.vector_load %arg7[%swap3A_192, %swap3A_193] {strides = array<i32>} : memref<128x64xf32, #tpu.memory_space<vmem>>, vector<1x16xf32>,
      %swap3A_195 = vector.shape_cast %swap3A_194 : vector<1x16xf32> to vector<16xf32>
      %swap3A_196 = vector.shape_cast %add3A_191 : vector<16xf32> to vector<1x16xf32>
      tpu.vector_store %arg7[%swap3A_192, %swap3A_193], %swap3A_196 {strides = array<i32>} : memref<128x64xf32, #tpu.memory_space<vmem>>, vector<1x16xf32>,
      %add3A_197 = arith.addf %scan3A_183#2, %scan3A_183#6 : vector<16xf32>
      %swap3A_198 = arith.index_cast %add3A_161 : i32 to index
      %swap3A_199 = arith.constant 32 : index
      %swap3A_200 = tpu.vector_load %arg7[%swap3A_198, %swap3A_199] {strides = array<i32>} : memref<128x64xf32, #tpu.memory_space<vmem>>, vector<1x16xf32>,
      %swap3A_201 = vector.shape_cast %swap3A_200 : vector<1x16xf32> to vector<16xf32>
      %swap3A_202 = vector.shape_cast %add3A_197 : vector<16xf32> to vector<1x16xf32>
      tpu.vector_store %arg7[%swap3A_198, %swap3A_199], %swap3A_202 {strides = array<i32>} : memref<128x64xf32, #tpu.memory_space<vmem>>, vector<1x16xf32>,
      %add3A_203 = arith.addf %scan3A_183#3, %scan3A_183#7 : vector<16xf32>
      %swap3A_204 = arith.index_cast %add3A_161 : i32 to index
      %swap3A_205 = arith.constant 48 : index
      %swap3A_206 = tpu.vector_load %arg7[%swap3A_204, %swap3A_205] {strides = array<i32>} : memref<128x64xf32, #tpu.memory_space<vmem>>, vector<1x16xf32>,
      %swap3A_207 = vector.shape_cast %swap3A_206 : vector<1x16xf32> to vector<16xf32>
      %swap3A_208 = vector.shape_cast %add3A_203 : vector<16xf32> to vector<1x16xf32>
      tpu.vector_store %arg7[%swap3A_204, %swap3A_205], %swap3A_208 {strides = array<i32>} : memref<128x64xf32, #tpu.memory_space<vmem>>, vector<1x16xf32>,
      %add3A_209 = arith.constant 4 : i32
      %add3A_210 = arith.addi %add3A_161, %add3A_209 : i32
      %lt3A_211 = arith.constant 128 : i32
      %lt3A_212 = arith.cmpi slt, %add3A_210, %lt3A_211 : i32
      %convert_element_type3A_213 = arith.extui %lt3A_212 : i1 to i32
      %cond3A_214 = arith.constant 0 : i32
      %cond3A_215 = arith.cmpi ne, %convert_element_type3A_213, %cond3A_214 : i32
      scf.if %cond3A_215 {
        %add3A_333 = arith.constant 4 : i32
        %add3A_334 = arith.addi %add3A_161, %add3A_333 : i32
        %dma_start3A_335 = arith.constant 1 : i32
        %dma_start3A_336 = arith.constant 0 : i32
        %dma_start3A_337 = arith.constant 0 : i32
        %dma_start3A_338 = tpu.memref_slice %arg6[%dma_start3A_335, %dma_start3A_336, %dma_start3A_337] : memref<4x200x64xf32, #tpu.memory_space<vmem>> -> memref<1x104x64xf32, #tpu.memory_space<vmem>>
        %dma_start3A_339 = tpu.memref_squeeze %dma_start3A_338 : memref<1x104x64xf32, #tpu.memory_space<vmem>> -> memref<104x64xf32, #tpu.memory_space<vmem>>
        %dma_start3A_340 = arith.constant 0 : i32
        %dma_start3A_341 = tpu.memref_slice %arg5[%add3A_334, %dma_start3A_340] : memref<128x200xi32, #tpu.memory_space<vmem>> -> memref<1x104xi32, #tpu.memory_space<vmem>>
        %dma_start3A_342 = tpu.memref_squeeze %dma_start3A_341 : memref<1x104xi32, #tpu.memory_space<vmem>> -> memref<104xi32, #tpu.memory_space<vmem>>
        %dma_start3A_343 = arith.constant 0 : i32
        %dma_start3A_344 = arith.constant 0 : i32
        %dma_start3A_345 = tpu.memref_slice %arg3[%dma_start3A_343, %dma_start3A_344] : memref<1007616x64xf32, #tpu.memory_space<hbm>> -> memref<1007616x64xf32, #tpu.memory_space<hbm>>
        tpu.enqueue_indirect_dma source(%dma_start3A_345 : memref<1007616x64xf32, #tpu.memory_space<hbm>>) target(%dma_start3A_339 : memref<104x64xf32, #tpu.memory_space<vmem>>) offsets(%dma_start3A_342 : memref<104xi32, #tpu.memory_space<vmem>>) semaphore(%arg9 : memref<!tpu.dma_semaphore, #tpu.memory_space<semaphore_mem>>)
        %dma_start3A_346 = arith.constant 1 : i32
        %dma_start3A_347 = arith.constant 104 : i32
        %dma_start3A_348 = arith.constant 0 : i32
        %dma_start3A_349 = tpu.memref_slice %arg6[%dma_start3A_346, %dma_start3A_347, %dma_start3A_348] : memref<4x200x64xf32, #tpu.memory_space<vmem>> -> memref<1x96x64xf32, #tpu.memory_space<vmem>>
        %dma_start3A_350 = tpu.memref_squeeze %dma_start3A_349 : memref<1x96x64xf32, #tpu.memory_space<vmem>> -> memref<96x64xf32, #tpu.memory_space<vmem>>
        %dma_start3A_351 = arith.constant 104 : i32
        %dma_start3A_352 = tpu.memref_slice %arg5[%add3A_334, %dma_start3A_351] : memref<128x200xi32, #tpu.memory_space<vmem>> -> memref<1x96xi32, #tpu.memory_space<vmem>>
        %dma_start3A_353 = tpu.memref_squeeze %dma_start3A_352 : memref<1x96xi32, #tpu.memory_space<vmem>> -> memref<96xi32, #tpu.memory_space<vmem>>
        %dma_start3A_354 = arith.constant 0 : i32
        %dma_start3A_355 = arith.constant 0 : i32
        %dma_start3A_356 = tpu.memref_slice %arg3[%dma_start3A_354, %dma_start3A_355] : memref<1007616x64xf32, #tpu.memory_space<hbm>> -> memref<1007616x64xf32, #tpu.memory_space<hbm>>
        tpu.enqueue_indirect_dma source(%dma_start3A_356 : memref<1007616x64xf32, #tpu.memory_space<hbm>>) target(%dma_start3A_350 : memref<96x64xf32, #tpu.memory_space<vmem>>) offsets(%dma_start3A_353 : memref<96xi32, #tpu.memory_space<vmem>>) semaphore(%arg9 : memref<!tpu.dma_semaphore, #tpu.memory_space<semaphore_mem>>)
      } else {
      }
      %mul3A_216 = arith.constant 4 : i32
      %mul3A_217 = arith.muli %scan3A_104, %mul3A_216 : i32
      %add3A_218 = arith.constant 2 : i32
      %add3A_219 = arith.addi %mul3A_217, %add3A_218 : i32
      %dma_wait3A_220 = arith.constant 2 : i32
      %dma_wait3A_221 = arith.constant 0 : i32
      %dma_wait3A_222 = arith.constant 0 : i32
      %dma_wait3A_223 = tpu.memref_slice %arg6[%dma_wait3A_220, %dma_wait3A_221, %dma_wait3A_222] : memref<4x200x64xf32, #tpu.memory_space<vmem>> -> memref<1x200x64xf32, #tpu.memory_space<vmem>>
      %dma_wait3A_224 = tpu.memref_squeeze %dma_wait3A_223 : memref<1x200x64xf32, #tpu.memory_space<vmem>> -> memref<200x64xf32, #tpu.memory_space<vmem>>
      %dma_wait3A_225 = arith.constant 0 : i32
      %dma_wait3A_226 = arith.constant 0 : i32
      %dma_wait3A_227 = tpu.memref_slice %arg3[%dma_wait3A_225, %dma_wait3A_226] : memref<1007616x64xf32, #tpu.memory_space<hbm>> -> memref<200x64xf32, #tpu.memory_space<hbm>>
      %dma_wait3A_228 = arith.constant 0 : i32
      %dma_wait3A_229 = arith.constant 0 : i32
      %dma_wait3A_230 = tpu.memref_slice %arg6[%dma_wait3A_220, %dma_wait3A_228, %dma_wait3A_229] : memref<4x200x64xf32, #tpu.memory_space<vmem>> -> memref<1x200x64xf32, #tpu.memory_space<vmem>>
      %dma_wait3A_231 = tpu.memref_squeeze %dma_wait3A_230 : memref<1x200x64xf32, #tpu.memory_space<vmem>> -> memref<200x64xf32, #tpu.memory_space<vmem>>
      %dma_wait3A_232 = arith.constant 0 : i32
      %dma_wait3A_233 = arith.constant 0 : i32
      %dma_wait3A_234 = tpu.memref_slice %arg3[%dma_wait3A_232, %dma_wait3A_233] : memref<1007616x64xf32, #tpu.memory_space<hbm>> -> memref<200x64xf32, #tpu.memory_space<hbm>>
      tpu.wait_dma2 semaphore(%arg10 : memref<!tpu.dma_semaphore, #tpu.memory_space<semaphore_mem>>) src(%dma_wait3A_234 : memref<200x64xf32, #tpu.memory_space<hbm>>) dst(%dma_wait3A_231 : memref<200x64xf32, #tpu.memory_space<vmem>>)
      %broadcast_in_dim3A_235 = arith.constant 0.000000e+00 : f32
      %broadcast_in_dim3A_236 = vector.broadcast %broadcast_in_dim3A_235 : f32 to vector<16xf32>
      %scan3A_237 = arith.constant 0 : i32
      %scan3A_238 = arith.constant 25 : i32
      %scan3A_239 = arith.addi %scan3A_237, %scan3A_238 : i32
      %scan3A_240 = arith.constant 1 : i32
      %scan3A_241:8 = scf.for %scan3A_333 = %scan3A_237 to %scan3A_239 step %scan3A_240 iter_args(%scan3A_334 = %broadcast_in_dim3A_236, %scan3A_335 = %broadcast_in_dim3A_236, %scan3A_336 = %broadcast_in_dim3A_236, %scan3A_337 = %broadcast_in_dim3A_236, %scan3A_338 = %broadcast_in_dim3A_236, %scan3A_339 = %broadcast_in_dim3A_236, %scan3A_340 = %broadcast_in_dim3A_236, %scan3A_341 = %broadcast_in_dim3A_236) -> (vector<16xf32>, vector<16xf32>, vector<16xf32>, vector<16xf32>, vector<16xf32>, vector<16xf32>, vector<16xf32>, vector<16xf32>)  : i32 {
        %mul3A_342 = arith.constant 8 : i32
        %mul3A_343 = arith.muli %scan3A_333, %mul3A_342 : i32
        %add3A_344 = arith.constant 0 : i32
        %add3A_345 = arith.addi %mul3A_343, %add3A_344 : i32
        %get3A = arith.constant 2 : i32
        %get3A_346 = arith.index_cast %get3A : i32 to index
        %get3A_347 = arith.index_cast %add3A_345 : i32 to index
        %get3A_348 = arith.constant 0 : index
        %get3A_349 = tpu.vector_load %arg6[%get3A_346, %get3A_347, %get3A_348] {strides = array<i32>} : memref<4x200x64xf32, #tpu.memory_space<vmem>>, vector<1x1x16xf32>,
        %get3A_350 = vector.shape_cast %get3A_349 : vector<1x1x16xf32> to vector<16xf32>
        %add3A_351 = arith.addf %scan3A_334, %get3A_350 : vector<16xf32>
        %get3A_352 = arith.constant 2 : i32
        %get3A_353 = arith.index_cast %get3A_352 : i32 to index
        %get3A_354 = arith.index_cast %add3A_345 : i32 to index
        %get3A_355 = arith.constant 16 : index
        %get3A_356 = tpu.vector_load %arg6[%get3A_353, %get3A_354, %get3A_355] {strides = array<i32>} : memref<4x200x64xf32, #tpu.memory_space<vmem>>, vector<1x1x16xf32>,
        %get3A_357 = vector.shape_cast %get3A_356 : vector<1x1x16xf32> to vector<16xf32>
        %add3A_358 = arith.addf %scan3A_335, %get3A_357 : vector<16xf32>
        %get3A_359 = arith.constant 2 : i32
        %get3A_360 = arith.index_cast %get3A_359 : i32 to index
        %get3A_361 = arith.index_cast %add3A_345 : i32 to index
        %get3A_362 = arith.constant 32 : index
        %get3A_363 = tpu.vector_load %arg6[%get3A_360, %get3A_361, %get3A_362] {strides = array<i32>} : memref<4x200x64xf32, #tpu.memory_space<vmem>>, vector<1x1x16xf32>,
        %get3A_364 = vector.shape_cast %get3A_363 : vector<1x1x16xf32> to vector<16xf32>
        %add3A_365 = arith.addf %scan3A_336, %get3A_364 : vector<16xf32>
        %get3A_366 = arith.constant 2 : i32
        %get3A_367 = arith.index_cast %get3A_366 : i32 to index
        %get3A_368 = arith.index_cast %add3A_345 : i32 to index
        %get3A_369 = arith.constant 48 : index
        %get3A_370 = tpu.vector_load %arg6[%get3A_367, %get3A_368, %get3A_369] {strides = array<i32>} : memref<4x200x64xf32, #tpu.memory_space<vmem>>, vector<1x1x16xf32>,
        %get3A_371 = vector.shape_cast %get3A_370 : vector<1x1x16xf32> to vector<16xf32>
        %add3A_372 = arith.addf %scan3A_337, %get3A_371 : vector<16xf32>
        %mul3A_373 = arith.constant 8 : i32
        %mul3A_374 = arith.muli %scan3A_333, %mul3A_373 : i32
        %add3A_375 = arith.constant 1 : i32
        %add3A_376 = arith.addi %mul3A_374, %add3A_375 : i32
        %get3A_377 = arith.constant 2 : i32
        %get3A_378 = arith.index_cast %get3A_377 : i32 to index
        %get3A_379 = arith.index_cast %add3A_376 : i32 to index
        %get3A_380 = arith.constant 0 : index
        %get3A_381 = tpu.vector_load %arg6[%get3A_378, %get3A_379, %get3A_380] {strides = array<i32>} : memref<4x200x64xf32, #tpu.memory_space<vmem>>, vector<1x1x16xf32>,
        %get3A_382 = vector.shape_cast %get3A_381 : vector<1x1x16xf32> to vector<16xf32>
        %add3A_383 = arith.addf %scan3A_338, %get3A_382 : vector<16xf32>
        %get3A_384 = arith.constant 2 : i32
        %get3A_385 = arith.index_cast %get3A_384 : i32 to index
        %get3A_386 = arith.index_cast %add3A_376 : i32 to index
        %get3A_387 = arith.constant 16 : index
        %get3A_388 = tpu.vector_load %arg6[%get3A_385, %get3A_386, %get3A_387] {strides = array<i32>} : memref<4x200x64xf32, #tpu.memory_space<vmem>>, vector<1x1x16xf32>,
        %get3A_389 = vector.shape_cast %get3A_388 : vector<1x1x16xf32> to vector<16xf32>
        %add3A_390 = arith.addf %scan3A_339, %get3A_389 : vector<16xf32>
        %get3A_391 = arith.constant 2 : i32
        %get3A_392 = arith.index_cast %get3A_391 : i32 to index
        %get3A_393 = arith.index_cast %add3A_376 : i32 to index
        %get3A_394 = arith.constant 32 : index
        %get3A_395 = tpu.vector_load %arg6[%get3A_392, %get3A_393, %get3A_394] {strides = array<i32>} : memref<4x200x64xf32, #tpu.memory_space<vmem>>, vector<1x1x16xf32>,
        %get3A_396 = vector.shape_cast %get3A_395 : vector<1x1x16xf32> to vector<16xf32>
        %add3A_397 = arith.addf %scan3A_340, %get3A_396 : vector<16xf32>
        %get3A_398 = arith.constant 2 : i32
        %get3A_399 = arith.index_cast %get3A_398 : i32 to index
        %get3A_400 = arith.index_cast %add3A_376 : i32 to index
        %get3A_401 = arith.constant 48 : index
        %get3A_402 = tpu.vector_load %arg6[%get3A_399, %get3A_400, %get3A_401] {strides = array<i32>} : memref<4x200x64xf32, #tpu.memory_space<vmem>>, vector<1x1x16xf32>,
        %get3A_403 = vector.shape_cast %get3A_402 : vector<1x1x16xf32> to vector<16xf32>
        %add3A_404 = arith.addf %scan3A_341, %get3A_403 : vector<16xf32>
        %mul3A_405 = arith.constant 8 : i32
        %mul3A_406 = arith.muli %scan3A_333, %mul3A_405 : i32
        %add3A_407 = arith.constant 2 : i32
        %add3A_408 = arith.addi %mul3A_406, %add3A_407 : i32
        %get3A_409 = arith.constant 2 : i32
        %get3A_410 = arith.index_cast %get3A_409 : i32 to index
        %get3A_411 = arith.index_cast %add3A_408 : i32 to index
        %get3A_412 = arith.constant 0 : index
        %get3A_413 = tpu.vector_load %arg6[%get3A_410, %get3A_411, %get3A_412] {strides = array<i32>} : memref<4x200x64xf32, #tpu.memory_space<vmem>>, vector<1x1x16xf32>,
        %get3A_414 = vector.shape_cast %get3A_413 : vector<1x1x16xf32> to vector<16xf32>
        %add3A_415 = arith.addf %add3A_351, %get3A_414 : vector<16xf32>
        %get3A_416 = arith.constant 2 : i32
        %get3A_417 = arith.index_cast %get3A_416 : i32 to index
        %get3A_418 = arith.index_cast %add3A_408 : i32 to index
        %get3A_419 = arith.constant 16 : index
        %get3A_420 = tpu.vector_load %arg6[%get3A_417, %get3A_418, %get3A_419] {strides = array<i32>} : memref<4x200x64xf32, #tpu.memory_space<vmem>>, vector<1x1x16xf32>,
        %get3A_421 = vector.shape_cast %get3A_420 : vector<1x1x16xf32> to vector<16xf32>
        %add3A_422 = arith.addf %add3A_358, %get3A_421 : vector<16xf32>
        %get3A_423 = arith.constant 2 : i32
        %get3A_424 = arith.index_cast %get3A_423 : i32 to index
        %get3A_425 = arith.index_cast %add3A_408 : i32 to index
        %get3A_426 = arith.constant 32 : index
        %get3A_427 = tpu.vector_load %arg6[%get3A_424, %get3A_425, %get3A_426] {strides = array<i32>} : memref<4x200x64xf32, #tpu.memory_space<vmem>>, vector<1x1x16xf32>,
        %get3A_428 = vector.shape_cast %get3A_427 : vector<1x1x16xf32> to vector<16xf32>
        %add3A_429 = arith.addf %add3A_365, %get3A_428 : vector<16xf32>
        %get3A_430 = arith.constant 2 : i32
        %get3A_431 = arith.index_cast %get3A_430 : i32 to index
        %get3A_432 = arith.index_cast %add3A_408 : i32 to index
        %get3A_433 = arith.constant 48 : index
        %get3A_434 = tpu.vector_load %arg6[%get3A_431, %get3A_432, %get3A_433] {strides = array<i32>} : memref<4x200x64xf32, #tpu.memory_space<vmem>>, vector<1x1x16xf32>,
        %get3A_435 = vector.shape_cast %get3A_434 : vector<1x1x16xf32> to vector<16xf32>
        %add3A_436 = arith.addf %add3A_372, %get3A_435 : vector<16xf32>
        %mul3A_437 = arith.constant 8 : i32
        %mul3A_438 = arith.muli %scan3A_333, %mul3A_437 : i32
        %add3A_439 = arith.constant 3 : i32
        %add3A_440 = arith.addi %mul3A_438, %add3A_439 : i32
        %get3A_441 = arith.constant 2 : i32
        %get3A_442 = arith.index_cast %get3A_441 : i32 to index
        %get3A_443 = arith.index_cast %add3A_440 : i32 to index
        %get3A_444 = arith.constant 0 : index
        %get3A_445 = tpu.vector_load %arg6[%get3A_442, %get3A_443, %get3A_444] {strides = array<i32>} : memref<4x200x64xf32, #tpu.memory_space<vmem>>, vector<1x1x16xf32>,
        %get3A_446 = vector.shape_cast %get3A_445 : vector<1x1x16xf32> to vector<16xf32>
        %add3A_447 = arith.addf %add3A_383, %get3A_446 : vector<16xf32>
        %get3A_448 = arith.constant 2 : i32
        %get3A_449 = arith.index_cast %get3A_448 : i32 to index
        %get3A_450 = arith.index_cast %add3A_440 : i32 to index
        %get3A_451 = arith.constant 16 : index
        %get3A_452 = tpu.vector_load %arg6[%get3A_449, %get3A_450, %get3A_451] {strides = array<i32>} : memref<4x200x64xf32, #tpu.memory_space<vmem>>, vector<1x1x16xf32>,
        %get3A_453 = vector.shape_cast %get3A_452 : vector<1x1x16xf32> to vector<16xf32>
        %add3A_454 = arith.addf %add3A_390, %get3A_453 : vector<16xf32>
        %get3A_455 = arith.constant 2 : i32
        %get3A_456 = arith.index_cast %get3A_455 : i32 to index
        %get3A_457 = arith.index_cast %add3A_440 : i32 to index
        %get3A_458 = arith.constant 32 : index
        %get3A_459 = tpu.vector_load %arg6[%get3A_456, %get3A_457, %get3A_458] {strides = array<i32>} : memref<4x200x64xf32, #tpu.memory_space<vmem>>, vector<1x1x16xf32>,
        %get3A_460 = vector.shape_cast %get3A_459 : vector<1x1x16xf32> to vector<16xf32>
        %add3A_461 = arith.addf %add3A_397, %get3A_460 : vector<16xf32>
        %get3A_462 = arith.constant 2 : i32
        %get3A_463 = arith.index_cast %get3A_462 : i32 to index
        %get3A_464 = arith.index_cast %add3A_440 : i32 to index
        %get3A_465 = arith.constant 48 : index
        %get3A_466 = tpu.vector_load %arg6[%get3A_463, %get3A_464, %get3A_465] {strides = array<i32>} : memref<4x200x64xf32, #tpu.memory_space<vmem>>, vector<1x1x16xf32>,
        %get3A_467 = vector.shape_cast %get3A_466 : vector<1x1x16xf32> to vector<16xf32>
        %add3A_468 = arith.addf %add3A_404, %get3A_467 : vector<16xf32>
        %mul3A_469 = arith.constant 8 : i32
        %mul3A_470 = arith.muli %scan3A_333, %mul3A_469 : i32
        %add3A_471 = arith.constant 4 : i32
        %add3A_472 = arith.addi %mul3A_470, %add3A_471 : i32
        %get3A_473 = arith.constant 2 : i32
        %get3A_474 = arith.index_cast %get3A_473 : i32 to index
        %get3A_475 = arith.index_cast %add3A_472 : i32 to index
        %get3A_476 = arith.constant 0 : index
        %get3A_477 = tpu.vector_load %arg6[%get3A_474, %get3A_475, %get3A_476] {strides = array<i32>} : memref<4x200x64xf32, #tpu.memory_space<vmem>>, vector<1x1x16xf32>,
        %get3A_478 = vector.shape_cast %get3A_477 : vector<1x1x16xf32> to vector<16xf32>
        %add3A_479 = arith.addf %add3A_415, %get3A_478 : vector<16xf32>
        %get3A_480 = arith.constant 2 : i32
        %get3A_481 = arith.index_cast %get3A_480 : i32 to index
        %get3A_482 = arith.index_cast %add3A_472 : i32 to index
        %get3A_483 = arith.constant 16 : index
        %get3A_484 = tpu.vector_load %arg6[%get3A_481, %get3A_482, %get3A_483] {strides = array<i32>} : memref<4x200x64xf32, #tpu.memory_space<vmem>>, vector<1x1x16xf32>,
        %get3A_485 = vector.shape_cast %get3A_484 : vector<1x1x16xf32> to vector<16xf32>
        %add3A_486 = arith.addf %add3A_422, %get3A_485 : vector<16xf32>
        %get3A_487 = arith.constant 2 : i32
        %get3A_488 = arith.index_cast %get3A_487 : i32 to index
        %get3A_489 = arith.index_cast %add3A_472 : i32 to index
        %get3A_490 = arith.constant 32 : index
        %get3A_491 = tpu.vector_load %arg6[%get3A_488, %get3A_489, %get3A_490] {strides = array<i32>} : memref<4x200x64xf32, #tpu.memory_space<vmem>>, vector<1x1x16xf32>,
        %get3A_492 = vector.shape_cast %get3A_491 : vector<1x1x16xf32> to vector<16xf32>
        %add3A_493 = arith.addf %add3A_429, %get3A_492 : vector<16xf32>
        %get3A_494 = arith.constant 2 : i32
        %get3A_495 = arith.index_cast %get3A_494 : i32 to index
        %get3A_496 = arith.index_cast %add3A_472 : i32 to index
        %get3A_497 = arith.constant 48 : index
        %get3A_498 = tpu.vector_load %arg6[%get3A_495, %get3A_496, %get3A_497] {strides = array<i32>} : memref<4x200x64xf32, #tpu.memory_space<vmem>>, vector<1x1x16xf32>,
        %get3A_499 = vector.shape_cast %get3A_498 : vector<1x1x16xf32> to vector<16xf32>
        %add3A_500 = arith.addf %add3A_436, %get3A_499 : vector<16xf32>
        %mul3A_501 = arith.constant 8 : i32
        %mul3A_502 = arith.muli %scan3A_333, %mul3A_501 : i32
        %add3A_503 = arith.constant 5 : i32
        %add3A_504 = arith.addi %mul3A_502, %add3A_503 : i32
        %get3A_505 = arith.constant 2 : i32
        %get3A_506 = arith.index_cast %get3A_505 : i32 to index
        %get3A_507 = arith.index_cast %add3A_504 : i32 to index
        %get3A_508 = arith.constant 0 : index
        %get3A_509 = tpu.vector_load %arg6[%get3A_506, %get3A_507, %get3A_508] {strides = array<i32>} : memref<4x200x64xf32, #tpu.memory_space<vmem>>, vector<1x1x16xf32>,
        %get3A_510 = vector.shape_cast %get3A_509 : vector<1x1x16xf32> to vector<16xf32>
        %add3A_511 = arith.addf %add3A_447, %get3A_510 : vector<16xf32>
        %get3A_512 = arith.constant 2 : i32
        %get3A_513 = arith.index_cast %get3A_512 : i32 to index
        %get3A_514 = arith.index_cast %add3A_504 : i32 to index
        %get3A_515 = arith.constant 16 : index
        %get3A_516 = tpu.vector_load %arg6[%get3A_513, %get3A_514, %get3A_515] {strides = array<i32>} : memref<4x200x64xf32, #tpu.memory_space<vmem>>, vector<1x1x16xf32>,
        %get3A_517 = vector.shape_cast %get3A_516 : vector<1x1x16xf32> to vector<16xf32>
        %add3A_518 = arith.addf %add3A_454, %get3A_517 : vector<16xf32>
        %get3A_519 = arith.constant 2 : i32
        %get3A_520 = arith.index_cast %get3A_519 : i32 to index
        %get3A_521 = arith.index_cast %add3A_504 : i32 to index
        %get3A_522 = arith.constant 32 : index
        %get3A_523 = tpu.vector_load %arg6[%get3A_520, %get3A_521, %get3A_522] {strides = array<i32>} : memref<4x200x64xf32, #tpu.memory_space<vmem>>, vector<1x1x16xf32>,
        %get3A_524 = vector.shape_cast %get3A_523 : vector<1x1x16xf32> to vector<16xf32>
        %add3A_525 = arith.addf %add3A_461, %get3A_524 : vector<16xf32>
        %get3A_526 = arith.constant 2 : i32
        %get3A_527 = arith.index_cast %get3A_526 : i32 to index
        %get3A_528 = arith.index_cast %add3A_504 : i32 to index
        %get3A_529 = arith.constant 48 : index
        %get3A_530 = tpu.vector_load %arg6[%get3A_527, %get3A_528, %get3A_529] {strides = array<i32>} : memref<4x200x64xf32, #tpu.memory_space<vmem>>, vector<1x1x16xf32>,
        %get3A_531 = vector.shape_cast %get3A_530 : vector<1x1x16xf32> to vector<16xf32>
        %add3A_532 = arith.addf %add3A_468, %get3A_531 : vector<16xf32>
        %mul3A_533 = arith.constant 8 : i32
        %mul3A_534 = arith.muli %scan3A_333, %mul3A_533 : i32
        %add3A_535 = arith.constant 6 : i32
        %add3A_536 = arith.addi %mul3A_534, %add3A_535 : i32
        %get3A_537 = arith.constant 2 : i32
        %get3A_538 = arith.index_cast %get3A_537 : i32 to index
        %get3A_539 = arith.index_cast %add3A_536 : i32 to index
        %get3A_540 = arith.constant 0 : index
        %get3A_541 = tpu.vector_load %arg6[%get3A_538, %get3A_539, %get3A_540] {strides = array<i32>} : memref<4x200x64xf32, #tpu.memory_space<vmem>>, vector<1x1x16xf32>,
        %get3A_542 = vector.shape_cast %get3A_541 : vector<1x1x16xf32> to vector<16xf32>
        %add3A_543 = arith.addf %add3A_479, %get3A_542 : vector<16xf32>
        %get3A_544 = arith.constant 2 : i32
        %get3A_545 = arith.index_cast %get3A_544 : i32 to index
        %get3A_546 = arith.index_cast %add3A_536 : i32 to index
        %get3A_547 = arith.constant 16 : index
        %get3A_548 = tpu.vector_load %arg6[%get3A_545, %get3A_546, %get3A_547] {strides = array<i32>} : memref<4x200x64xf32, #tpu.memory_space<vmem>>, vector<1x1x16xf32>,
        %get3A_549 = vector.shape_cast %get3A_548 : vector<1x1x16xf32> to vector<16xf32>
        %add3A_550 = arith.addf %add3A_486, %get3A_549 : vector<16xf32>
        %get3A_551 = arith.constant 2 : i32
        %get3A_552 = arith.index_cast %get3A_551 : i32 to index
        %get3A_553 = arith.index_cast %add3A_536 : i32 to index
        %get3A_554 = arith.constant 32 : index
        %get3A_555 = tpu.vector_load %arg6[%get3A_552, %get3A_553, %get3A_554] {strides = array<i32>} : memref<4x200x64xf32, #tpu.memory_space<vmem>>, vector<1x1x16xf32>,
        %get3A_556 = vector.shape_cast %get3A_555 : vector<1x1x16xf32> to vector<16xf32>
        %add3A_557 = arith.addf %add3A_493, %get3A_556 : vector<16xf32>
        %get3A_558 = arith.constant 2 : i32
        %get3A_559 = arith.index_cast %get3A_558 : i32 to index
        %get3A_560 = arith.index_cast %add3A_536 : i32 to index
        %get3A_561 = arith.constant 48 : index
        %get3A_562 = tpu.vector_load %arg6[%get3A_559, %get3A_560, %get3A_561] {strides = array<i32>} : memref<4x200x64xf32, #tpu.memory_space<vmem>>, vector<1x1x16xf32>,
        %get3A_563 = vector.shape_cast %get3A_562 : vector<1x1x16xf32> to vector<16xf32>
        %add3A_564 = arith.addf %add3A_500, %get3A_563 : vector<16xf32>
        %mul3A_565 = arith.constant 8 : i32
        %mul3A_566 = arith.muli %scan3A_333, %mul3A_565 : i32
        %add3A_567 = arith.constant 7 : i32
        %add3A_568 = arith.addi %mul3A_566, %add3A_567 : i32
        %get3A_569 = arith.constant 2 : i32
        %get3A_570 = arith.index_cast %get3A_569 : i32 to index
        %get3A_571 = arith.index_cast %add3A_568 : i32 to index
        %get3A_572 = arith.constant 0 : index
        %get3A_573 = tpu.vector_load %arg6[%get3A_570, %get3A_571, %get3A_572] {strides = array<i32>} : memref<4x200x64xf32, #tpu.memory_space<vmem>>, vector<1x1x16xf32>,
        %get3A_574 = vector.shape_cast %get3A_573 : vector<1x1x16xf32> to vector<16xf32>
        %add3A_575 = arith.addf %add3A_511, %get3A_574 : vector<16xf32>
        %get3A_576 = arith.constant 2 : i32
        %get3A_577 = arith.index_cast %get3A_576 : i32 to index
        %get3A_578 = arith.index_cast %add3A_568 : i32 to index
        %get3A_579 = arith.constant 16 : index
        %get3A_580 = tpu.vector_load %arg6[%get3A_577, %get3A_578, %get3A_579] {strides = array<i32>} : memref<4x200x64xf32, #tpu.memory_space<vmem>>, vector<1x1x16xf32>,
        %get3A_581 = vector.shape_cast %get3A_580 : vector<1x1x16xf32> to vector<16xf32>
        %add3A_582 = arith.addf %add3A_518, %get3A_581 : vector<16xf32>
        %get3A_583 = arith.constant 2 : i32
        %get3A_584 = arith.index_cast %get3A_583 : i32 to index
        %get3A_585 = arith.index_cast %add3A_568 : i32 to index
        %get3A_586 = arith.constant 32 : index
        %get3A_587 = tpu.vector_load %arg6[%get3A_584, %get3A_585, %get3A_586] {strides = array<i32>} : memref<4x200x64xf32, #tpu.memory_space<vmem>>, vector<1x1x16xf32>,
        %get3A_588 = vector.shape_cast %get3A_587 : vector<1x1x16xf32> to vector<16xf32>
        %add3A_589 = arith.addf %add3A_525, %get3A_588 : vector<16xf32>
        %get3A_590 = arith.constant 2 : i32
        %get3A_591 = arith.index_cast %get3A_590 : i32 to index
        %get3A_592 = arith.index_cast %add3A_568 : i32 to index
        %get3A_593 = arith.constant 48 : index
        %get3A_594 = tpu.vector_load %arg6[%get3A_591, %get3A_592, %get3A_593] {strides = array<i32>} : memref<4x200x64xf32, #tpu.memory_space<vmem>>, vector<1x1x16xf32>,
        %get3A_595 = vector.shape_cast %get3A_594 : vector<1x1x16xf32> to vector<16xf32>
        %add3A_596 = arith.addf %add3A_532, %get3A_595 : vector<16xf32>
        scf.yield %add3A_543, %add3A_550, %add3A_557, %add3A_564, %add3A_575, %add3A_582, %add3A_589, %add3A_596 : vector<16xf32>, vector<16xf32>, vector<16xf32>, vector<16xf32>, vector<16xf32>, vector<16xf32>, vector<16xf32>, vector<16xf32>
      }
      %scan3A_242 = arith.constant 25 : i32
      %add3A_243 = arith.addf %scan3A_241#0, %scan3A_241#4 : vector<16xf32>
      %swap3A_244 = arith.index_cast %add3A_219 : i32 to index
      %swap3A_245 = arith.constant 0 : index
      %swap3A_246 = tpu.vector_load %arg7[%swap3A_244, %swap3A_245] {strides = array<i32>} : memref<128x64xf32, #tpu.memory_space<vmem>>, vector<1x16xf32>,
      %swap3A_247 = vector.shape_cast %swap3A_246 : vector<1x16xf32> to vector<16xf32>
      %swap3A_248 = vector.shape_cast %add3A_243 : vector<16xf32> to vector<1x16xf32>
      tpu.vector_store %arg7[%swap3A_244, %swap3A_245], %swap3A_248 {strides = array<i32>} : memref<128x64xf32, #tpu.memory_space<vmem>>, vector<1x16xf32>,
      %add3A_249 = arith.addf %scan3A_241#1, %scan3A_241#5 : vector<16xf32>
      %swap3A_250 = arith.index_cast %add3A_219 : i32 to index
      %swap3A_251 = arith.constant 16 : index
      %swap3A_252 = tpu.vector_load %arg7[%swap3A_250, %swap3A_251] {strides = array<i32>} : memref<128x64xf32, #tpu.memory_space<vmem>>, vector<1x16xf32>,
      %swap3A_253 = vector.shape_cast %swap3A_252 : vector<1x16xf32> to vector<16xf32>
      %swap3A_254 = vector.shape_cast %add3A_249 : vector<16xf32> to vector<1x16xf32>
      tpu.vector_store %arg7[%swap3A_250, %swap3A_251], %swap3A_254 {strides = array<i32>} : memref<128x64xf32, #tpu.memory_space<vmem>>, vector<1x16xf32>,
      %add3A_255 = arith.addf %scan3A_241#2, %scan3A_241#6 : vector<16xf32>
      %swap3A_256 = arith.index_cast %add3A_219 : i32 to index
      %swap3A_257 = arith.constant 32 : index
      %swap3A_258 = tpu.vector_load %arg7[%swap3A_256, %swap3A_257] {strides = array<i32>} : memref<128x64xf32, #tpu.memory_space<vmem>>, vector<1x16xf32>,
      %swap3A_259 = vector.shape_cast %swap3A_258 : vector<1x16xf32> to vector<16xf32>
      %swap3A_260 = vector.shape_cast %add3A_255 : vector<16xf32> to vector<1x16xf32>
      tpu.vector_store %arg7[%swap3A_256, %swap3A_257], %swap3A_260 {strides = array<i32>} : memref<128x64xf32, #tpu.memory_space<vmem>>, vector<1x16xf32>,
      %add3A_261 = arith.addf %scan3A_241#3, %scan3A_241#7 : vector<16xf32>
      %swap3A_262 = arith.index_cast %add3A_219 : i32 to index
      %swap3A_263 = arith.constant 48 : index
      %swap3A_264 = tpu.vector_load %arg7[%swap3A_262, %swap3A_263] {strides = array<i32>} : memref<128x64xf32, #tpu.memory_space<vmem>>, vector<1x16xf32>,
      %swap3A_265 = vector.shape_cast %swap3A_264 : vector<1x16xf32> to vector<16xf32>
      %swap3A_266 = vector.shape_cast %add3A_261 : vector<16xf32> to vector<1x16xf32>
      tpu.vector_store %arg7[%swap3A_262, %swap3A_263], %swap3A_266 {strides = array<i32>} : memref<128x64xf32, #tpu.memory_space<vmem>>, vector<1x16xf32>,
      %add3A_267 = arith.constant 4 : i32
      %add3A_268 = arith.addi %add3A_219, %add3A_267 : i32
      %lt3A_269 = arith.constant 128 : i32
      %lt3A_270 = arith.cmpi slt, %add3A_268, %lt3A_269 : i32
      %convert_element_type3A_271 = arith.extui %lt3A_270 : i1 to i32
      %cond3A_272 = arith.constant 0 : i32
      %cond3A_273 = arith.cmpi ne, %convert_element_type3A_271, %cond3A_272 : i32
      scf.if %cond3A_273 {
        %add3A_333 = arith.constant 4 : i32
        %add3A_334 = arith.addi %add3A_219, %add3A_333 : i32
        %dma_start3A_335 = arith.constant 2 : i32
        %dma_start3A_336 = arith.constant 0 : i32
        %dma_start3A_337 = arith.constant 0 : i32
        %dma_start3A_338 = tpu.memref_slice %arg6[%dma_start3A_335, %dma_start3A_336, %dma_start3A_337] : memref<4x200x64xf32, #tpu.memory_space<vmem>> -> memref<1x104x64xf32, #tpu.memory_space<vmem>>
        %dma_start3A_339 = tpu.memref_squeeze %dma_start3A_338 : memref<1x104x64xf32, #tpu.memory_space<vmem>> -> memref<104x64xf32, #tpu.memory_space<vmem>>
        %dma_start3A_340 = arith.constant 0 : i32
        %dma_start3A_341 = tpu.memref_slice %arg5[%add3A_334, %dma_start3A_340] : memref<128x200xi32, #tpu.memory_space<vmem>> -> memref<1x104xi32, #tpu.memory_space<vmem>>
        %dma_start3A_342 = tpu.memref_squeeze %dma_start3A_341 : memref<1x104xi32, #tpu.memory_space<vmem>> -> memref<104xi32, #tpu.memory_space<vmem>>
        %dma_start3A_343 = arith.constant 0 : i32
        %dma_start3A_344 = arith.constant 0 : i32
        %dma_start3A_345 = tpu.memref_slice %arg3[%dma_start3A_343, %dma_start3A_344] : memref<1007616x64xf32, #tpu.memory_space<hbm>> -> memref<1007616x64xf32, #tpu.memory_space<hbm>>
        tpu.enqueue_indirect_dma source(%dma_start3A_345 : memref<1007616x64xf32, #tpu.memory_space<hbm>>) target(%dma_start3A_339 : memref<104x64xf32, #tpu.memory_space<vmem>>) offsets(%dma_start3A_342 : memref<104xi32, #tpu.memory_space<vmem>>) semaphore(%arg10 : memref<!tpu.dma_semaphore, #tpu.memory_space<semaphore_mem>>)
        %dma_start3A_346 = arith.constant 2 : i32
        %dma_start3A_347 = arith.constant 104 : i32
        %dma_start3A_348 = arith.constant 0 : i32
        %dma_start3A_349 = tpu.memref_slice %arg6[%dma_start3A_346, %dma_start3A_347, %dma_start3A_348] : memref<4x200x64xf32, #tpu.memory_space<vmem>> -> memref<1x96x64xf32, #tpu.memory_space<vmem>>
        %dma_start3A_350 = tpu.memref_squeeze %dma_start3A_349 : memref<1x96x64xf32, #tpu.memory_space<vmem>> -> memref<96x64xf32, #tpu.memory_space<vmem>>
        %dma_start3A_351 = arith.constant 104 : i32
        %dma_start3A_352 = tpu.memref_slice %arg5[%add3A_334, %dma_start3A_351] : memref<128x200xi32, #tpu.memory_space<vmem>> -> memref<1x96xi32, #tpu.memory_space<vmem>>
        %dma_start3A_353 = tpu.memref_squeeze %dma_start3A_352 : memref<1x96xi32, #tpu.memory_space<vmem>> -> memref<96xi32, #tpu.memory_space<vmem>>
        %dma_start3A_354 = arith.constant 0 : i32
        %dma_start3A_355 = arith.constant 0 : i32
        %dma_start3A_356 = tpu.memref_slice %arg3[%dma_start3A_354, %dma_start3A_355] : memref<1007616x64xf32, #tpu.memory_space<hbm>> -> memref<1007616x64xf32, #tpu.memory_space<hbm>>
        tpu.enqueue_indirect_dma source(%dma_start3A_356 : memref<1007616x64xf32, #tpu.memory_space<hbm>>) target(%dma_start3A_350 : memref<96x64xf32, #tpu.memory_space<vmem>>) offsets(%dma_start3A_353 : memref<96xi32, #tpu.memory_space<vmem>>) semaphore(%arg10 : memref<!tpu.dma_semaphore, #tpu.memory_space<semaphore_mem>>)
      } else {
      }
      %mul3A_274 = arith.constant 4 : i32
      %mul3A_275 = arith.muli %scan3A_104, %mul3A_274 : i32
      %add3A_276 = arith.constant 3 : i32
      %add3A_277 = arith.addi %mul3A_275, %add3A_276 : i32
      %dma_wait3A_278 = arith.constant 3 : i32
      %dma_wait3A_279 = arith.constant 0 : i32
      %dma_wait3A_280 = arith.constant 0 : i32
      %dma_wait3A_281 = tpu.memref_slice %arg6[%dma_wait3A_278, %dma_wait3A_279, %dma_wait3A_280] : memref<4x200x64xf32, #tpu.memory_space<vmem>> -> memref<1x200x64xf32, #tpu.memory_space<vmem>>
      %dma_wait3A_282 = tpu.memref_squeeze %dma_wait3A_281 : memref<1x200x64xf32, #tpu.memory_space<vmem>> -> memref<200x64xf32, #tpu.memory_space<vmem>>
      %dma_wait3A_283 = arith.constant 0 : i32
      %dma_wait3A_284 = arith.constant 0 : i32
      %dma_wait3A_285 = tpu.memref_slice %arg3[%dma_wait3A_283, %dma_wait3A_284] : memref<1007616x64xf32, #tpu.memory_space<hbm>> -> memref<200x64xf32, #tpu.memory_space<hbm>>
      %dma_wait3A_286 = arith.constant 0 : i32
      %dma_wait3A_287 = arith.constant 0 : i32
      %dma_wait3A_288 = tpu.memref_slice %arg6[%dma_wait3A_278, %dma_wait3A_286, %dma_wait3A_287] : memref<4x200x64xf32, #tpu.memory_space<vmem>> -> memref<1x200x64xf32, #tpu.memory_space<vmem>>
      %dma_wait3A_289 = tpu.memref_squeeze %dma_wait3A_288 : memref<1x200x64xf32, #tpu.memory_space<vmem>> -> memref<200x64xf32, #tpu.memory_space<vmem>>
      %dma_wait3A_290 = arith.constant 0 : i32
      %dma_wait3A_291 = arith.constant 0 : i32
      %dma_wait3A_292 = tpu.memref_slice %arg3[%dma_wait3A_290, %dma_wait3A_291] : memref<1007616x64xf32, #tpu.memory_space<hbm>> -> memref<200x64xf32, #tpu.memory_space<hbm>>
      tpu.wait_dma2 semaphore(%arg11 : memref<!tpu.dma_semaphore, #tpu.memory_space<semaphore_mem>>) src(%dma_wait3A_292 : memref<200x64xf32, #tpu.memory_space<hbm>>) dst(%dma_wait3A_289 : memref<200x64xf32, #tpu.memory_space<vmem>>)
      %broadcast_in_dim3A_293 = arith.constant 0.000000e+00 : f32
      %broadcast_in_dim3A_294 = vector.broadcast %broadcast_in_dim3A_293 : f32 to vector<16xf32>
      %scan3A_295 = arith.constant 0 : i32
      %scan3A_296 = arith.constant 25 : i32
      %scan3A_297 = arith.addi %scan3A_295, %scan3A_296 : i32
      %scan3A_298 = arith.constant 1 : i32
      %scan3A_299:8 = scf.for %scan3A_333 = %scan3A_295 to %scan3A_297 step %scan3A_298 iter_args(%scan3A_334 = %broadcast_in_dim3A_294, %scan3A_335 = %broadcast_in_dim3A_294, %scan3A_336 = %broadcast_in_dim3A_294, %scan3A_337 = %broadcast_in_dim3A_294, %scan3A_338 = %broadcast_in_dim3A_294, %scan3A_339 = %broadcast_in_dim3A_294, %scan3A_340 = %broadcast_in_dim3A_294, %scan3A_341 = %broadcast_in_dim3A_294) -> (vector<16xf32>, vector<16xf32>, vector<16xf32>, vector<16xf32>, vector<16xf32>, vector<16xf32>, vector<16xf32>, vector<16xf32>)  : i32 {
        %mul3A_342 = arith.constant 8 : i32
        %mul3A_343 = arith.muli %scan3A_333, %mul3A_342 : i32
        %add3A_344 = arith.constant 0 : i32
        %add3A_345 = arith.addi %mul3A_343, %add3A_344 : i32
        %get3A = arith.constant 3 : i32
        %get3A_346 = arith.index_cast %get3A : i32 to index
        %get3A_347 = arith.index_cast %add3A_345 : i32 to index
        %get3A_348 = arith.constant 0 : index
        %get3A_349 = tpu.vector_load %arg6[%get3A_346, %get3A_347, %get3A_348] {strides = array<i32>} : memref<4x200x64xf32, #tpu.memory_space<vmem>>, vector<1x1x16xf32>,
        %get3A_350 = vector.shape_cast %get3A_349 : vector<1x1x16xf32> to vector<16xf32>
        %add3A_351 = arith.addf %scan3A_334, %get3A_350 : vector<16xf32>
        %get3A_352 = arith.constant 3 : i32
        %get3A_353 = arith.index_cast %get3A_352 : i32 to index
        %get3A_354 = arith.index_cast %add3A_345 : i32 to index
        %get3A_355 = arith.constant 16 : index
        %get3A_356 = tpu.vector_load %arg6[%get3A_353, %get3A_354, %get3A_355] {strides = array<i32>} : memref<4x200x64xf32, #tpu.memory_space<vmem>>, vector<1x1x16xf32>,
        %get3A_357 = vector.shape_cast %get3A_356 : vector<1x1x16xf32> to vector<16xf32>
        %add3A_358 = arith.addf %scan3A_335, %get3A_357 : vector<16xf32>
        %get3A_359 = arith.constant 3 : i32
        %get3A_360 = arith.index_cast %get3A_359 : i32 to index
        %get3A_361 = arith.index_cast %add3A_345 : i32 to index
        %get3A_362 = arith.constant 32 : index
        %get3A_363 = tpu.vector_load %arg6[%get3A_360, %get3A_361, %get3A_362] {strides = array<i32>} : memref<4x200x64xf32, #tpu.memory_space<vmem>>, vector<1x1x16xf32>,
        %get3A_364 = vector.shape_cast %get3A_363 : vector<1x1x16xf32> to vector<16xf32>
        %add3A_365 = arith.addf %scan3A_336, %get3A_364 : vector<16xf32>
        %get3A_366 = arith.constant 3 : i32
        %get3A_367 = arith.index_cast %get3A_366 : i32 to index
        %get3A_368 = arith.index_cast %add3A_345 : i32 to index
        %get3A_369 = arith.constant 48 : index
        %get3A_370 = tpu.vector_load %arg6[%get3A_367, %get3A_368, %get3A_369] {strides = array<i32>} : memref<4x200x64xf32, #tpu.memory_space<vmem>>, vector<1x1x16xf32>,
        %get3A_371 = vector.shape_cast %get3A_370 : vector<1x1x16xf32> to vector<16xf32>
        %add3A_372 = arith.addf %scan3A_337, %get3A_371 : vector<16xf32>
        %mul3A_373 = arith.constant 8 : i32
        %mul3A_374 = arith.muli %scan3A_333, %mul3A_373 : i32
        %add3A_375 = arith.constant 1 : i32
        %add3A_376 = arith.addi %mul3A_374, %add3A_375 : i32
        %get3A_377 = arith.constant 3 : i32
        %get3A_378 = arith.index_cast %get3A_377 : i32 to index
        %get3A_379 = arith.index_cast %add3A_376 : i32 to index
        %get3A_380 = arith.constant 0 : index
        %get3A_381 = tpu.vector_load %arg6[%get3A_378, %get3A_379, %get3A_380] {strides = array<i32>} : memref<4x200x64xf32, #tpu.memory_space<vmem>>, vector<1x1x16xf32>,
        %get3A_382 = vector.shape_cast %get3A_381 : vector<1x1x16xf32> to vector<16xf32>
        %add3A_383 = arith.addf %scan3A_338, %get3A_382 : vector<16xf32>
        %get3A_384 = arith.constant 3 : i32
        %get3A_385 = arith.index_cast %get3A_384 : i32 to index
        %get3A_386 = arith.index_cast %add3A_376 : i32 to index
        %get3A_387 = arith.constant 16 : index
        %get3A_388 = tpu.vector_load %arg6[%get3A_385, %get3A_386, %get3A_387] {strides = array<i32>} : memref<4x200x64xf32, #tpu.memory_space<vmem>>, vector<1x1x16xf32>,
        %get3A_389 = vector.shape_cast %get3A_388 : vector<1x1x16xf32> to vector<16xf32>
        %add3A_390 = arith.addf %scan3A_339, %get3A_389 : vector<16xf32>
        %get3A_391 = arith.constant 3 : i32
        %get3A_392 = arith.index_cast %get3A_391 : i32 to index
        %get3A_393 = arith.index_cast %add3A_376 : i32 to index
        %get3A_394 = arith.constant 32 : index
        %get3A_395 = tpu.vector_load %arg6[%get3A_392, %get3A_393, %get3A_394] {strides = array<i32>} : memref<4x200x64xf32, #tpu.memory_space<vmem>>, vector<1x1x16xf32>,
        %get3A_396 = vector.shape_cast %get3A_395 : vector<1x1x16xf32> to vector<16xf32>
        %add3A_397 = arith.addf %scan3A_340, %get3A_396 : vector<16xf32>
        %get3A_398 = arith.constant 3 : i32
        %get3A_399 = arith.index_cast %get3A_398 : i32 to index
        %get3A_400 = arith.index_cast %add3A_376 : i32 to index
        %get3A_401 = arith.constant 48 : index
        %get3A_402 = tpu.vector_load %arg6[%get3A_399, %get3A_400, %get3A_401] {strides = array<i32>} : memref<4x200x64xf32, #tpu.memory_space<vmem>>, vector<1x1x16xf32>,
        %get3A_403 = vector.shape_cast %get3A_402 : vector<1x1x16xf32> to vector<16xf32>
        %add3A_404 = arith.addf %scan3A_341, %get3A_403 : vector<16xf32>
        %mul3A_405 = arith.constant 8 : i32
        %mul3A_406 = arith.muli %scan3A_333, %mul3A_405 : i32
        %add3A_407 = arith.constant 2 : i32
        %add3A_408 = arith.addi %mul3A_406, %add3A_407 : i32
        %get3A_409 = arith.constant 3 : i32
        %get3A_410 = arith.index_cast %get3A_409 : i32 to index
        %get3A_411 = arith.index_cast %add3A_408 : i32 to index
        %get3A_412 = arith.constant 0 : index
        %get3A_413 = tpu.vector_load %arg6[%get3A_410, %get3A_411, %get3A_412] {strides = array<i32>} : memref<4x200x64xf32, #tpu.memory_space<vmem>>, vector<1x1x16xf32>,
        %get3A_414 = vector.shape_cast %get3A_413 : vector<1x1x16xf32> to vector<16xf32>
        %add3A_415 = arith.addf %add3A_351, %get3A_414 : vector<16xf32>
        %get3A_416 = arith.constant 3 : i32
        %get3A_417 = arith.index_cast %get3A_416 : i32 to index
        %get3A_418 = arith.index_cast %add3A_408 : i32 to index
        %get3A_419 = arith.constant 16 : index
        %get3A_420 = tpu.vector_load %arg6[%get3A_417, %get3A_418, %get3A_419] {strides = array<i32>} : memref<4x200x64xf32, #tpu.memory_space<vmem>>, vector<1x1x16xf32>,
        %get3A_421 = vector.shape_cast %get3A_420 : vector<1x1x16xf32> to vector<16xf32>
        %add3A_422 = arith.addf %add3A_358, %get3A_421 : vector<16xf32>
        %get3A_423 = arith.constant 3 : i32
        %get3A_424 = arith.index_cast %get3A_423 : i32 to index
        %get3A_425 = arith.index_cast %add3A_408 : i32 to index
        %get3A_426 = arith.constant 32 : index
        %get3A_427 = tpu.vector_load %arg6[%get3A_424, %get3A_425, %get3A_426] {strides = array<i32>} : memref<4x200x64xf32, #tpu.memory_space<vmem>>, vector<1x1x16xf32>,
        %get3A_428 = vector.shape_cast %get3A_427 : vector<1x1x16xf32> to vector<16xf32>
        %add3A_429 = arith.addf %add3A_365, %get3A_428 : vector<16xf32>
        %get3A_430 = arith.constant 3 : i32
        %get3A_431 = arith.index_cast %get3A_430 : i32 to index
        %get3A_432 = arith.index_cast %add3A_408 : i32 to index
        %get3A_433 = arith.constant 48 : index
        %get3A_434 = tpu.vector_load %arg6[%get3A_431, %get3A_432, %get3A_433] {strides = array<i32>} : memref<4x200x64xf32, #tpu.memory_space<vmem>>, vector<1x1x16xf32>,
        %get3A_435 = vector.shape_cast %get3A_434 : vector<1x1x16xf32> to vector<16xf32>
        %add3A_436 = arith.addf %add3A_372, %get3A_435 : vector<16xf32>
        %mul3A_437 = arith.constant 8 : i32
        %mul3A_438 = arith.muli %scan3A_333, %mul3A_437 : i32
        %add3A_439 = arith.constant 3 : i32
        %add3A_440 = arith.addi %mul3A_438, %add3A_439 : i32
        %get3A_441 = arith.constant 3 : i32
        %get3A_442 = arith.index_cast %get3A_441 : i32 to index
        %get3A_443 = arith.index_cast %add3A_440 : i32 to index
        %get3A_444 = arith.constant 0 : index
        %get3A_445 = tpu.vector_load %arg6[%get3A_442, %get3A_443, %get3A_444] {strides = array<i32>} : memref<4x200x64xf32, #tpu.memory_space<vmem>>, vector<1x1x16xf32>,
        %get3A_446 = vector.shape_cast %get3A_445 : vector<1x1x16xf32> to vector<16xf32>
        %add3A_447 = arith.addf %add3A_383, %get3A_446 : vector<16xf32>
        %get3A_448 = arith.constant 3 : i32
        %get3A_449 = arith.index_cast %get3A_448 : i32 to index
        %get3A_450 = arith.index_cast %add3A_440 : i32 to index
        %get3A_451 = arith.constant 16 : index
        %get3A_452 = tpu.vector_load %arg6[%get3A_449, %get3A_450, %get3A_451] {strides = array<i32>} : memref<4x200x64xf32, #tpu.memory_space<vmem>>, vector<1x1x16xf32>,
        %get3A_453 = vector.shape_cast %get3A_452 : vector<1x1x16xf32> to vector<16xf32>
        %add3A_454 = arith.addf %add3A_390, %get3A_453 : vector<16xf32>
        %get3A_455 = arith.constant 3 : i32
        %get3A_456 = arith.index_cast %get3A_455 : i32 to index
        %get3A_457 = arith.index_cast %add3A_440 : i32 to index
        %get3A_458 = arith.constant 32 : index
        %get3A_459 = tpu.vector_load %arg6[%get3A_456, %get3A_457, %get3A_458] {strides = array<i32>} : memref<4x200x64xf32, #tpu.memory_space<vmem>>, vector<1x1x16xf32>,
        %get3A_460 = vector.shape_cast %get3A_459 : vector<1x1x16xf32> to vector<16xf32>
        %add3A_461 = arith.addf %add3A_397, %get3A_460 : vector<16xf32>
        %get3A_462 = arith.constant 3 : i32
        %get3A_463 = arith.index_cast %get3A_462 : i32 to index
        %get3A_464 = arith.index_cast %add3A_440 : i32 to index
        %get3A_465 = arith.constant 48 : index
        %get3A_466 = tpu.vector_load %arg6[%get3A_463, %get3A_464, %get3A_465] {strides = array<i32>} : memref<4x200x64xf32, #tpu.memory_space<vmem>>, vector<1x1x16xf32>,
        %get3A_467 = vector.shape_cast %get3A_466 : vector<1x1x16xf32> to vector<16xf32>
        %add3A_468 = arith.addf %add3A_404, %get3A_467 : vector<16xf32>
        %mul3A_469 = arith.constant 8 : i32
        %mul3A_470 = arith.muli %scan3A_333, %mul3A_469 : i32
        %add3A_471 = arith.constant 4 : i32
        %add3A_472 = arith.addi %mul3A_470, %add3A_471 : i32
        %get3A_473 = arith.constant 3 : i32
        %get3A_474 = arith.index_cast %get3A_473 : i32 to index
        %get3A_475 = arith.index_cast %add3A_472 : i32 to index
        %get3A_476 = arith.constant 0 : index
        %get3A_477 = tpu.vector_load %arg6[%get3A_474, %get3A_475, %get3A_476] {strides = array<i32>} : memref<4x200x64xf32, #tpu.memory_space<vmem>>, vector<1x1x16xf32>,
        %get3A_478 = vector.shape_cast %get3A_477 : vector<1x1x16xf32> to vector<16xf32>
        %add3A_479 = arith.addf %add3A_415, %get3A_478 : vector<16xf32>
        %get3A_480 = arith.constant 3 : i32
        %get3A_481 = arith.index_cast %get3A_480 : i32 to index
        %get3A_482 = arith.index_cast %add3A_472 : i32 to index
        %get3A_483 = arith.constant 16 : index
        %get3A_484 = tpu.vector_load %arg6[%get3A_481, %get3A_482, %get3A_483] {strides = array<i32>} : memref<4x200x64xf32, #tpu.memory_space<vmem>>, vector<1x1x16xf32>,
        %get3A_485 = vector.shape_cast %get3A_484 : vector<1x1x16xf32> to vector<16xf32>
        %add3A_486 = arith.addf %add3A_422, %get3A_485 : vector<16xf32>
        %get3A_487 = arith.constant 3 : i32
        %get3A_488 = arith.index_cast %get3A_487 : i32 to index
        %get3A_489 = arith.index_cast %add3A_472 : i32 to index
        %get3A_490 = arith.constant 32 : index
        %get3A_491 = tpu.vector_load %arg6[%get3A_488, %get3A_489, %get3A_490] {strides = array<i32>} : memref<4x200x64xf32, #tpu.memory_space<vmem>>, vector<1x1x16xf32>,
        %get3A_492 = vector.shape_cast %get3A_491 : vector<1x1x16xf32> to vector<16xf32>
        %add3A_493 = arith.addf %add3A_429, %get3A_492 : vector<16xf32>
        %get3A_494 = arith.constant 3 : i32
        %get3A_495 = arith.index_cast %get3A_494 : i32 to index
        %get3A_496 = arith.index_cast %add3A_472 : i32 to index
        %get3A_497 = arith.constant 48 : index
        %get3A_498 = tpu.vector_load %arg6[%get3A_495, %get3A_496, %get3A_497] {strides = array<i32>} : memref<4x200x64xf32, #tpu.memory_space<vmem>>, vector<1x1x16xf32>,
        %get3A_499 = vector.shape_cast %get3A_498 : vector<1x1x16xf32> to vector<16xf32>
        %add3A_500 = arith.addf %add3A_436, %get3A_499 : vector<16xf32>
        %mul3A_501 = arith.constant 8 : i32
        %mul3A_502 = arith.muli %scan3A_333, %mul3A_501 : i32
        %add3A_503 = arith.constant 5 : i32
        %add3A_504 = arith.addi %mul3A_502, %add3A_503 : i32
        %get3A_505 = arith.constant 3 : i32
        %get3A_506 = arith.index_cast %get3A_505 : i32 to index
        %get3A_507 = arith.index_cast %add3A_504 : i32 to index
        %get3A_508 = arith.constant 0 : index
        %get3A_509 = tpu.vector_load %arg6[%get3A_506, %get3A_507, %get3A_508] {strides = array<i32>} : memref<4x200x64xf32, #tpu.memory_space<vmem>>, vector<1x1x16xf32>,
        %get3A_510 = vector.shape_cast %get3A_509 : vector<1x1x16xf32> to vector<16xf32>
        %add3A_511 = arith.addf %add3A_447, %get3A_510 : vector<16xf32>
        %get3A_512 = arith.constant 3 : i32
        %get3A_513 = arith.index_cast %get3A_512 : i32 to index
        %get3A_514 = arith.index_cast %add3A_504 : i32 to index
        %get3A_515 = arith.constant 16 : index
        %get3A_516 = tpu.vector_load %arg6[%get3A_513, %get3A_514, %get3A_515] {strides = array<i32>} : memref<4x200x64xf32, #tpu.memory_space<vmem>>, vector<1x1x16xf32>,
        %get3A_517 = vector.shape_cast %get3A_516 : vector<1x1x16xf32> to vector<16xf32>
        %add3A_518 = arith.addf %add3A_454, %get3A_517 : vector<16xf32>
        %get3A_519 = arith.constant 3 : i32
        %get3A_520 = arith.index_cast %get3A_519 : i32 to index
        %get3A_521 = arith.index_cast %add3A_504 : i32 to index
        %get3A_522 = arith.constant 32 : index
        %get3A_523 = tpu.vector_load %arg6[%get3A_520, %get3A_521, %get3A_522] {strides = array<i32>} : memref<4x200x64xf32, #tpu.memory_space<vmem>>, vector<1x1x16xf32>,
        %get3A_524 = vector.shape_cast %get3A_523 : vector<1x1x16xf32> to vector<16xf32>
        %add3A_525 = arith.addf %add3A_461, %get3A_524 : vector<16xf32>
        %get3A_526 = arith.constant 3 : i32
        %get3A_527 = arith.index_cast %get3A_526 : i32 to index
        %get3A_528 = arith.index_cast %add3A_504 : i32 to index
        %get3A_529 = arith.constant 48 : index
        %get3A_530 = tpu.vector_load %arg6[%get3A_527, %get3A_528, %get3A_529] {strides = array<i32>} : memref<4x200x64xf32, #tpu.memory_space<vmem>>, vector<1x1x16xf32>,
        %get3A_531 = vector.shape_cast %get3A_530 : vector<1x1x16xf32> to vector<16xf32>
        %add3A_532 = arith.addf %add3A_468, %get3A_531 : vector<16xf32>
        %mul3A_533 = arith.constant 8 : i32
        %mul3A_534 = arith.muli %scan3A_333, %mul3A_533 : i32
        %add3A_535 = arith.constant 6 : i32
        %add3A_536 = arith.addi %mul3A_534, %add3A_535 : i32
        %get3A_537 = arith.constant 3 : i32
        %get3A_538 = arith.index_cast %get3A_537 : i32 to index
        %get3A_539 = arith.index_cast %add3A_536 : i32 to index
        %get3A_540 = arith.constant 0 : index
        %get3A_541 = tpu.vector_load %arg6[%get3A_538, %get3A_539, %get3A_540] {strides = array<i32>} : memref<4x200x64xf32, #tpu.memory_space<vmem>>, vector<1x1x16xf32>,
        %get3A_542 = vector.shape_cast %get3A_541 : vector<1x1x16xf32> to vector<16xf32>
        %add3A_543 = arith.addf %add3A_479, %get3A_542 : vector<16xf32>
        %get3A_544 = arith.constant 3 : i32
        %get3A_545 = arith.index_cast %get3A_544 : i32 to index
        %get3A_546 = arith.index_cast %add3A_536 : i32 to index
        %get3A_547 = arith.constant 16 : index
        %get3A_548 = tpu.vector_load %arg6[%get3A_545, %get3A_546, %get3A_547] {strides = array<i32>} : memref<4x200x64xf32, #tpu.memory_space<vmem>>, vector<1x1x16xf32>,
        %get3A_549 = vector.shape_cast %get3A_548 : vector<1x1x16xf32> to vector<16xf32>
        %add3A_550 = arith.addf %add3A_486, %get3A_549 : vector<16xf32>
        %get3A_551 = arith.constant 3 : i32
        %get3A_552 = arith.index_cast %get3A_551 : i32 to index
        %get3A_553 = arith.index_cast %add3A_536 : i32 to index
        %get3A_554 = arith.constant 32 : index
        %get3A_555 = tpu.vector_load %arg6[%get3A_552, %get3A_553, %get3A_554] {strides = array<i32>} : memref<4x200x64xf32, #tpu.memory_space<vmem>>, vector<1x1x16xf32>,
        %get3A_556 = vector.shape_cast %get3A_555 : vector<1x1x16xf32> to vector<16xf32>
        %add3A_557 = arith.addf %add3A_493, %get3A_556 : vector<16xf32>
        %get3A_558 = arith.constant 3 : i32
        %get3A_559 = arith.index_cast %get3A_558 : i32 to index
        %get3A_560 = arith.index_cast %add3A_536 : i32 to index
        %get3A_561 = arith.constant 48 : index
        %get3A_562 = tpu.vector_load %arg6[%get3A_559, %get3A_560, %get3A_561] {strides = array<i32>} : memref<4x200x64xf32, #tpu.memory_space<vmem>>, vector<1x1x16xf32>,
        %get3A_563 = vector.shape_cast %get3A_562 : vector<1x1x16xf32> to vector<16xf32>
        %add3A_564 = arith.addf %add3A_500, %get3A_563 : vector<16xf32>
        %mul3A_565 = arith.constant 8 : i32
        %mul3A_566 = arith.muli %scan3A_333, %mul3A_565 : i32
        %add3A_567 = arith.constant 7 : i32
        %add3A_568 = arith.addi %mul3A_566, %add3A_567 : i32
        %get3A_569 = arith.constant 3 : i32
        %get3A_570 = arith.index_cast %get3A_569 : i32 to index
        %get3A_571 = arith.index_cast %add3A_568 : i32 to index
        %get3A_572 = arith.constant 0 : index
        %get3A_573 = tpu.vector_load %arg6[%get3A_570, %get3A_571, %get3A_572] {strides = array<i32>} : memref<4x200x64xf32, #tpu.memory_space<vmem>>, vector<1x1x16xf32>,
        %get3A_574 = vector.shape_cast %get3A_573 : vector<1x1x16xf32> to vector<16xf32>
        %add3A_575 = arith.addf %add3A_511, %get3A_574 : vector<16xf32>
        %get3A_576 = arith.constant 3 : i32
        %get3A_577 = arith.index_cast %get3A_576 : i32 to index
        %get3A_578 = arith.index_cast %add3A_568 : i32 to index
        %get3A_579 = arith.constant 16 : index
        %get3A_580 = tpu.vector_load %arg6[%get3A_577, %get3A_578, %get3A_579] {strides = array<i32>} : memref<4x200x64xf32, #tpu.memory_space<vmem>>, vector<1x1x16xf32>,
        %get3A_581 = vector.shape_cast %get3A_580 : vector<1x1x16xf32> to vector<16xf32>
        %add3A_582 = arith.addf %add3A_518, %get3A_581 : vector<16xf32>
        %get3A_583 = arith.constant 3 : i32
        %get3A_584 = arith.index_cast %get3A_583 : i32 to index
        %get3A_585 = arith.index_cast %add3A_568 : i32 to index
        %get3A_586 = arith.constant 32 : index
        %get3A_587 = tpu.vector_load %arg6[%get3A_584, %get3A_585, %get3A_586] {strides = array<i32>} : memref<4x200x64xf32, #tpu.memory_space<vmem>>, vector<1x1x16xf32>,
        %get3A_588 = vector.shape_cast %get3A_587 : vector<1x1x16xf32> to vector<16xf32>
        %add3A_589 = arith.addf %add3A_525, %get3A_588 : vector<16xf32>
        %get3A_590 = arith.constant 3 : i32
        %get3A_591 = arith.index_cast %get3A_590 : i32 to index
        %get3A_592 = arith.index_cast %add3A_568 : i32 to index
        %get3A_593 = arith.constant 48 : index
        %get3A_594 = tpu.vector_load %arg6[%get3A_591, %get3A_592, %get3A_593] {strides = array<i32>} : memref<4x200x64xf32, #tpu.memory_space<vmem>>, vector<1x1x16xf32>,
        %get3A_595 = vector.shape_cast %get3A_594 : vector<1x1x16xf32> to vector<16xf32>
        %add3A_596 = arith.addf %add3A_532, %get3A_595 : vector<16xf32>
        scf.yield %add3A_543, %add3A_550, %add3A_557, %add3A_564, %add3A_575, %add3A_582, %add3A_589, %add3A_596 : vector<16xf32>, vector<16xf32>, vector<16xf32>, vector<16xf32>, vector<16xf32>, vector<16xf32>, vector<16xf32>, vector<16xf32>
      }
      %scan3A_300 = arith.constant 25 : i32
      %add3A_301 = arith.addf %scan3A_299#0, %scan3A_299#4 : vector<16xf32>
      %swap3A_302 = arith.index_cast %add3A_277 : i32 to index
      %swap3A_303 = arith.constant 0 : index
      %swap3A_304 = tpu.vector_load %arg7[%swap3A_302, %swap3A_303] {strides = array<i32>} : memref<128x64xf32, #tpu.memory_space<vmem>>, vector<1x16xf32>,
      %swap3A_305 = vector.shape_cast %swap3A_304 : vector<1x16xf32> to vector<16xf32>
      %swap3A_306 = vector.shape_cast %add3A_301 : vector<16xf32> to vector<1x16xf32>
      tpu.vector_store %arg7[%swap3A_302, %swap3A_303], %swap3A_306 {strides = array<i32>} : memref<128x64xf32, #tpu.memory_space<vmem>>, vector<1x16xf32>,
      %add3A_307 = arith.addf %scan3A_299#1, %scan3A_299#5 : vector<16xf32>
      %swap3A_308 = arith.index_cast %add3A_277 : i32 to index
      %swap3A_309 = arith.constant 16 : index
      %swap3A_310 = tpu.vector_load %arg7[%swap3A_308, %swap3A_309] {strides = array<i32>} : memref<128x64xf32, #tpu.memory_space<vmem>>, vector<1x16xf32>,
      %swap3A_311 = vector.shape_cast %swap3A_310 : vector<1x16xf32> to vector<16xf32>
      %swap3A_312 = vector.shape_cast %add3A_307 : vector<16xf32> to vector<1x16xf32>
      tpu.vector_store %arg7[%swap3A_308, %swap3A_309], %swap3A_312 {strides = array<i32>} : memref<128x64xf32, #tpu.memory_space<vmem>>, vector<1x16xf32>,
      %add3A_313 = arith.addf %scan3A_299#2, %scan3A_299#6 : vector<16xf32>
      %swap3A_314 = arith.index_cast %add3A_277 : i32 to index
      %swap3A_315 = arith.constant 32 : index
      %swap3A_316 = tpu.vector_load %arg7[%swap3A_314, %swap3A_315] {strides = array<i32>} : memref<128x64xf32, #tpu.memory_space<vmem>>, vector<1x16xf32>,
      %swap3A_317 = vector.shape_cast %swap3A_316 : vector<1x16xf32> to vector<16xf32>
      %swap3A_318 = vector.shape_cast %add3A_313 : vector<16xf32> to vector<1x16xf32>
      tpu.vector_store %arg7[%swap3A_314, %swap3A_315], %swap3A_318 {strides = array<i32>} : memref<128x64xf32, #tpu.memory_space<vmem>>, vector<1x16xf32>,
      %add3A_319 = arith.addf %scan3A_299#3, %scan3A_299#7 : vector<16xf32>
      %swap3A_320 = arith.index_cast %add3A_277 : i32 to index
      %swap3A_321 = arith.constant 48 : index
      %swap3A_322 = tpu.vector_load %arg7[%swap3A_320, %swap3A_321] {strides = array<i32>} : memref<128x64xf32, #tpu.memory_space<vmem>>, vector<1x16xf32>,
      %swap3A_323 = vector.shape_cast %swap3A_322 : vector<1x16xf32> to vector<16xf32>
      %swap3A_324 = vector.shape_cast %add3A_319 : vector<16xf32> to vector<1x16xf32>
      tpu.vector_store %arg7[%swap3A_320, %swap3A_321], %swap3A_324 {strides = array<i32>} : memref<128x64xf32, #tpu.memory_space<vmem>>, vector<1x16xf32>,
      %add3A_325 = arith.constant 4 : i32
      %add3A_326 = arith.addi %add3A_277, %add3A_325 : i32
      %lt3A_327 = arith.constant 128 : i32
      %lt3A_328 = arith.cmpi slt, %add3A_326, %lt3A_327 : i32
      %convert_element_type3A_329 = arith.extui %lt3A_328 : i1 to i32
      %cond3A_330 = arith.constant 0 : i32
      %cond3A_331 = arith.cmpi ne, %convert_element_type3A_329, %cond3A_330 : i32
      scf.if %cond3A_331 {
        %add3A_333 = arith.constant 4 : i32
        %add3A_334 = arith.addi %add3A_277, %add3A_333 : i32
        %dma_start3A_335 = arith.constant 3 : i32
        %dma_start3A_336 = arith.constant 0 : i32
        %dma_start3A_337 = arith.constant 0 : i32
        %dma_start3A_338 = tpu.memref_slice %arg6[%dma_start3A_335, %dma_start3A_336, %dma_start3A_337] : memref<4x200x64xf32, #tpu.memory_space<vmem>> -> memref<1x104x64xf32, #tpu.memory_space<vmem>>
        %dma_start3A_339 = tpu.memref_squeeze %dma_start3A_338 : memref<1x104x64xf32, #tpu.memory_space<vmem>> -> memref<104x64xf32, #tpu.memory_space<vmem>>
        %dma_start3A_340 = arith.constant 0 : i32
        %dma_start3A_341 = tpu.memref_slice %arg5[%add3A_334, %dma_start3A_340] : memref<128x200xi32, #tpu.memory_space<vmem>> -> memref<1x104xi32, #tpu.memory_space<vmem>>
        %dma_start3A_342 = tpu.memref_squeeze %dma_start3A_341 : memref<1x104xi32, #tpu.memory_space<vmem>> -> memref<104xi32, #tpu.memory_space<vmem>>
        %dma_start3A_343 = arith.constant 0 : i32
        %dma_start3A_344 = arith.constant 0 : i32
        %dma_start3A_345 = tpu.memref_slice %arg3[%dma_start3A_343, %dma_start3A_344] : memref<1007616x64xf32, #tpu.memory_space<hbm>> -> memref<1007616x64xf32, #tpu.memory_space<hbm>>
        tpu.enqueue_indirect_dma source(%dma_start3A_345 : memref<1007616x64xf32, #tpu.memory_space<hbm>>) target(%dma_start3A_339 : memref<104x64xf32, #tpu.memory_space<vmem>>) offsets(%dma_start3A_342 : memref<104xi32, #tpu.memory_space<vmem>>) semaphore(%arg11 : memref<!tpu.dma_semaphore, #tpu.memory_space<semaphore_mem>>)
        %dma_start3A_346 = arith.constant 3 : i32
        %dma_start3A_347 = arith.constant 104 : i32
        %dma_start3A_348 = arith.constant 0 : i32
        %dma_start3A_349 = tpu.memref_slice %arg6[%dma_start3A_346, %dma_start3A_347, %dma_start3A_348] : memref<4x200x64xf32, #tpu.memory_space<vmem>> -> memref<1x96x64xf32, #tpu.memory_space<vmem>>
        %dma_start3A_350 = tpu.memref_squeeze %dma_start3A_349 : memref<1x96x64xf32, #tpu.memory_space<vmem>> -> memref<96x64xf32, #tpu.memory_space<vmem>>
        %dma_start3A_351 = arith.constant 104 : i32
        %dma_start3A_352 = tpu.memref_slice %arg5[%add3A_334, %dma_start3A_351] : memref<128x200xi32, #tpu.memory_space<vmem>> -> memref<1x96xi32, #tpu.memory_space<vmem>>
        %dma_start3A_353 = tpu.memref_squeeze %dma_start3A_352 : memref<1x96xi32, #tpu.memory_space<vmem>> -> memref<96xi32, #tpu.memory_space<vmem>>
        %dma_start3A_354 = arith.constant 0 : i32
        %dma_start3A_355 = arith.constant 0 : i32
        %dma_start3A_356 = tpu.memref_slice %arg3[%dma_start3A_354, %dma_start3A_355] : memref<1007616x64xf32, #tpu.memory_space<hbm>> -> memref<1007616x64xf32, #tpu.memory_space<hbm>>
        tpu.enqueue_indirect_dma source(%dma_start3A_356 : memref<1007616x64xf32, #tpu.memory_space<hbm>>) target(%dma_start3A_350 : memref<96x64xf32, #tpu.memory_space<vmem>>) offsets(%dma_start3A_353 : memref<96xi32, #tpu.memory_space<vmem>>) semaphore(%arg11 : memref<!tpu.dma_semaphore, #tpu.memory_space<semaphore_mem>>)
      } else {
      }
      %scan3A_332 = arith.constant 0 : i32
      scf.yield %scan3A_332 : i32
    }
    %scan3A_103 = arith.constant 32 : i32
    "tpu.region"() ({
      %run_scoped3A = tpu.sem_alloc : memref<!tpu.dma_semaphore, #tpu.memory_space<semaphore_mem>>
      %dma_start3A_104 = arith.constant 0 : i32
      %dma_start3A_105 = tpu.memref_slice %arg4[%mul3A_2, %dma_start3A_104] : memref<4096x64xf32, #tpu.memory_space<hbm>> -> memref<128x64xf32, #tpu.memory_space<hbm>>
      %dma_start3A_106 = arith.constant 0 : i32
      %dma_start3A_107 = tpu.memref_slice %arg4[%mul3A_2, %dma_start3A_106] : memref<4096x64xf32, #tpu.memory_space<hbm>> -> memref<128x64xf32, #tpu.memory_space<hbm>>
      tpu.enqueue_dma source(%arg7 : memref<128x64xf32, #tpu.memory_space<vmem>>) target(%dma_start3A_107 : memref<128x64xf32, #tpu.memory_space<hbm>>) target_semaphore(%run_scoped3A : memref<!tpu.dma_semaphore, #tpu.memory_space<semaphore_mem>>)
      %dma_wait3A = arith.constant 0 : i32
      %dma_wait3A_108 = tpu.memref_slice %arg4[%mul3A_2, %dma_wait3A] : memref<4096x64xf32, #tpu.memory_space<hbm>> -> memref<128x64xf32, #tpu.memory_space<hbm>>
      %dma_wait3A_109 = arith.constant 0 : i32
      %dma_wait3A_110 = tpu.memref_slice %arg4[%mul3A_2, %dma_wait3A_109] : memref<4096x64xf32, #tpu.memory_space<hbm>> -> memref<128x64xf32, #tpu.memory_space<hbm>>
      tpu.wait_dma2 semaphore(%run_scoped3A : memref<!tpu.dma_semaphore, #tpu.memory_space<semaphore_mem>>) src(%arg7 : memref<128x64xf32, #tpu.memory_space<vmem>>) dst(%dma_wait3A_110 : memref<128x64xf32, #tpu.memory_space<hbm>>)
      tpu.yield
    }) : () -> ()
    return
  }
}

module attributes {stable_mosaic.version = 14 : i64} {
  func.func @_tc_transpose(%arg0: i32, %arg1: memref<64x4096xf32, #tpu.memory_space<vmem>>, %arg2: memref<64x4096xf32, #tpu.memory_space<vmem>>, %arg3: memref<64x64xf32, #tpu.memory_space<vmem>>, %arg4: memref<4096x128xf32, #tpu.memory_space<vmem>>) attributes {dimension_semantics = [#tpu.dimension_semantics<arbitrary>], iteration_bounds = array<i64: 123>, scalar_prefetch = 0 : i64, scratch_operands = 0 : i64, tpu.core_type = #tpu.core_type<tc>, window_params = [{transform_indices = @transform_0, window_bounds = array<i64: 64, 4096>}, {transform_indices = @transform_1, window_bounds = array<i64: 64, 4096>}, {pipeline_mode = #tpu.pipeline_mode<synchronous>, transform_indices = @transform_2, window_bounds = array<i64: 64, 64>}, {transform_indices = @transform_3, window_bounds = array<i64: 4096, 128>}]} {
    %get3A = arith.constant 0 : index
    %get3A_0 = arith.constant 0 : index
    %get3A_1 = vector.load %arg3[%get3A, %get3A_0] : memref<64x64xf32, #tpu.memory_space<vmem>>, vector<64x64xf32>
    %get3A_2 = arith.constant 0 : index
    %get3A_3 = arith.constant 0 : index
    %get3A_4 = vector.load %arg1[%get3A_2, %get3A_3] : memref<64x4096xf32, #tpu.memory_space<vmem>>, vector<64x4096xf32>
    %dot_general3A = arith.constant dense<0.000000e+00> : vector<4096x64xf32>
    %dot_general3A_5 = tpu.matmul %get3A_4, %get3A_1, %dot_general3A {dimension_numbers = #tpu.dot_dimension_numbers<[0], [0], [1], [1], [0, 1, 1, 1], [], []>, transpose_lhs_hint = false} : vector<64x4096xf32>, vector<64x64xf32>, vector<4096x64xf32> -> vector<4096x64xf32>
    %get3A_6 = arith.constant 0 : index
    %get3A_7 = arith.constant 0 : index
    %get3A_8 = vector.load %arg2[%get3A_6, %get3A_7] : memref<64x4096xf32, #tpu.memory_space<vmem>>, vector<64x4096xf32>
    %dot_general3A_9 = arith.constant dense<0.000000e+00> : vector<4096x64xf32>
    %dot_general3A_10 = tpu.matmul %get3A_8, %get3A_1, %dot_general3A_9 {dimension_numbers = #tpu.dot_dimension_numbers<[0], [0], [1], [1], [0, 1, 1, 1], [], []>, transpose_lhs_hint = false} : vector<64x4096xf32>, vector<64x64xf32>, vector<4096x64xf32> -> vector<4096x64xf32>
    %concatenate3A = tpu.concatenate %dot_general3A_5, %dot_general3A_10 in 1 : vector<4096x64xf32>, vector<4096x64xf32> -> vector<4096x128xf32>
    %swap3A = arith.constant 0 : index
    %swap3A_11 = arith.constant 0 : index
    %swap3A_12 = vector.load %arg4[%swap3A, %swap3A_11] : memref<4096x128xf32, #tpu.memory_space<vmem>>, vector<4096x128xf32>
    tpu.vector_store %arg4[%swap3A, %swap3A_11], %concatenate3A {strides = array<i32>} : memref<4096x128xf32, #tpu.memory_space<vmem>>, vector<4096x128xf32>,
    return
  }
  func.func @transform_0(%arg0: i32) -> (i32, i32) {
    %c0_i32 = arith.constant 0 : i32
    %c0_i32_0 = arith.constant 0 : i32
    return %c0_i32, %arg0 : i32, i32
  }
  func.func @transform_1(%arg0: i32) -> (i32, i32) {
    %add3A = arith.constant 123 : i32
    %add3A_0 = arith.addi %arg0, %add3A : i32
    %min3A = arith.constant 244 : i32
    %min3A_1 = arith.minsi %add3A_0, %min3A : i32
    %c0_i32 = arith.constant 0 : i32
    %c0_i32_2 = arith.constant 0 : i32
    return %c0_i32, %min3A_1 : i32, i32
  }
  func.func @transform_2(%arg0: i32) -> (i32, i32) {
    %c0_i32 = arith.constant 0 : i32
    %c0_i32_0 = arith.constant 0 : i32
    %c0_i32_1 = arith.constant 0 : i32
    return %c0_i32, %c0_i32_0 : i32, i32
  }
  func.func @transform_3(%arg0: i32) -> (i32, i32) {
    %c0_i32 = arith.constant 0 : i32
    %c0_i32_0 = arith.constant 0 : i32
    return %arg0, %c0_i32 : i32, i32
  }
}

module attributes {stable_mosaic.version = 14 : i64} {
  func.func @_tc_head(%arg0: memref<4096x64xf32, #tpu.memory_space<vmem>>, %arg1: memref<5x64xf32, #tpu.memory_space<vmem>>, %arg2: memref<1x5xf32, #tpu.memory_space<vmem>>, %arg3: memref<4096x5xf32, #tpu.memory_space<vmem>>) attributes {dimension_semantics = [], scalar_prefetch = 0 : i64, scratch_operands = 0 : i64, tpu.core_type = #tpu.core_type<tc>} {
    %get3A = arith.constant 0 : index
    %get3A_0 = arith.constant 0 : index
    %get3A_1 = vector.load %arg0[%get3A, %get3A_0] : memref<4096x64xf32, #tpu.memory_space<vmem>>, vector<4096x64xf32>
    %mul3A = arith.constant 5.000000e-03 : f32
    %mul3A_2 = vector.broadcast %mul3A : f32 to vector<4096x64xf32>
    %mul3A_3 = arith.mulf %get3A_1, %mul3A_2 : vector<4096x64xf32>
    %get3A_4 = arith.constant 0 : index
    %get3A_5 = arith.constant 0 : index
    %get3A_6 = vector.load %arg1[%get3A_4, %get3A_5] : memref<5x64xf32, #tpu.memory_space<vmem>>, vector<5x64xf32>
    %dot_general3A = arith.constant dense<0.000000e+00> : vector<4096x5xf32>
    %dot_general3A_7 = tpu.matmul %mul3A_3, %get3A_6, %dot_general3A {dimension_numbers = #tpu.dot_dimension_numbers<[1], [1], [0], [0], [0, 0, 1, 0], [], []>, transpose_lhs_hint = false} : vector<4096x64xf32>, vector<5x64xf32>, vector<4096x5xf32> -> vector<4096x5xf32>
    %get3A_8 = arith.constant 0 : index
    %get3A_9 = arith.constant 0 : index
    %get3A_10 = vector.load %arg2[%get3A_8, %get3A_9] : memref<1x5xf32, #tpu.memory_space<vmem>>, vector<1x5xf32>
    %add3A = vector.broadcast %get3A_10 : vector<1x5xf32> to vector<4096x5xf32>
    %add3A_11 = arith.addf %dot_general3A_7, %add3A : vector<4096x5xf32>
    %reduce_max3A = arith.constant dense<0xFF800000> : vector<4096xf32>
    %reduce_max3A_12 = vector.multi_reduction <maximumf>, %add3A_11, %reduce_max3A [1] : vector<4096x5xf32> to vector<4096xf32>
    %broadcast_in_dim3A = vector.shape_cast %reduce_max3A_12 : vector<4096xf32> to vector<4096x1xf32>
    %sub3A = vector.broadcast %broadcast_in_dim3A : vector<4096x1xf32> to vector<4096x5xf32>
    %sub3A_13 = arith.subf %add3A_11, %sub3A : vector<4096x5xf32>
    %exp3A = math.exp %sub3A_13 : vector<4096x5xf32>
    %reduce_sum3A = arith.constant dense<0.000000e+00> : vector<4096xf32>
    %reduce_sum3A_14 = vector.multi_reduction <add>, %exp3A, %reduce_sum3A [1] : vector<4096x5xf32> to vector<4096xf32>
    %broadcast_in_dim3A_15 = vector.shape_cast %reduce_sum3A_14 : vector<4096xf32> to vector<4096x1xf32>
    %log3A = math.log %broadcast_in_dim3A_15 : vector<4096x1xf32>
    %sub3A_16 = vector.broadcast %log3A : vector<4096x1xf32> to vector<4096x5xf32>
    %sub3A_17 = arith.subf %sub3A_13, %sub3A_16 : vector<4096x5xf32>
    %swap3A = arith.constant 0 : index
    %swap3A_18 = arith.constant 0 : index
    %swap3A_19 = vector.load %arg3[%swap3A, %swap3A_18] : memref<4096x5xf32, #tpu.memory_space<vmem>>, vector<4096x5xf32>
    tpu.vector_store %arg3[%swap3A, %swap3A_18], %sub3A_17 {strides = array<i32>} : memref<4096x5xf32, #tpu.memory_space<vmem>>, vector<4096x5xf32>,
    return
  }
}

</mosaic_0001>

<sc_bundles>
// kernel: kernel.5.cloned.1.call-start
scs
__scs_entry_jumppad:
0x0: {  	(pc) =	sbr.rel $0x88, $3  }
0x1: {  	(tag) =	ssettag $0x0;
	lr =	simm.s32 $0x1  }
0x2: {  	[smem:$0x3F9D] =	sst lr;
	_ =	strace $0xD0000000  }
0x3: {  	_ = 	snop  }
0x4: {  	_ = 	snop  }
0x5: {  	_ = 	snop  }
0x6: {  	_ = 	snop  }
0x7: {  	_ = 	snop  }
__scs_overlays_trampoline_lowered:
0x8: {  	[smem:$0x3FAC] =	sst s0  }
0x9: {  	[smem:$0x3FAD] =	sst s1  }
0xa: {  	[smem:$0x3FAE] =	sst s2  }
0xb: {  	[smem:$0x3FAF] =	sst s3  }
0xc: {  	[smem:$0x3FB0] =	sst s4  }
0xd: {  	[smem:$0x3FB1] =	sst s5  }
0xe: {  	[smem:$0x3FB2] =	sst s6  }
0xf: {  	[smem:$0x3FB3] =	sst s7  }
0x10: {  	[smem:$0x3FB4] =	sst s8  }
0x11: {  	[smem:$0x3FB5] =	sst s9;
	s0 =	simm.s32 @!p0 $0x0  }
0x12: {  	s1 =	sld [smem:$0x3F9B];
	s0 =	simm.s32 @p0 $0x1  }
0x13: {  	[smem:$0x3FB6] =	sst s0;
	s0 =	simm.s32 @!p1 $0x0  }
0x14: {  	s2 =	sld [smem:$0x3F9A];
	s0 =	simm.s32 @p1 $0x1  }
0x15: {  	[smem:$0x3FB7] =	sst s0;
	s0 =	simm.s32 @!p2 $0x0  }
0x16: {  	s3 =	sld [smem:$0x3FDB];
	s0 =	simm.s32 @p2 $0x1  }
0x17: {  	s4 =	simm.s32 $0x1BF5;
	[smem:$0x3FB9] =	sst s0  }
0x18: {  	s0 =	sld [smem:$0x3F9C];
	_ =	swait.ge [sflag:s4], $0x0  }
0x19: {  	s7 =	sld [smem:$0x3F9D]  }
0x1a: {  	s8 =	sadd.s32 $0xFFFFE003, lr  }
0x1b: {  	s9 =	sadd.s32 $0xFFFFFEF7, lr;
	s5 =	simm.s32 $0xFFFFFFFF;
	p2 =	slt.u32 s8, $0xFFFFF086  }
0x1c: {  	p1 =	slt.u32 s9, $0xF7A;
	s5 =	simm.s32 @!p2 $0x0  }
0x1d: {  	s5 =	simm.s32 @p1 $0x1;
	p0 =	seq.s32 s7, s2  }
0x1e: {  	s7 =	smul.u32 @!p0 $0xF7A, s2;
	p2 =	seq.s32 @!p0 s5, $0x0  }
0x1f: {  	s9 =	smul.u32 $0xF7A, s1;
	s8 =	simm.s32 @!p0 $0x1BF5;
	p2 =	por !p2, p0  }
0x20: {  	[sflag:s8] =	ssyncset.s32 @!p0 $0xFFFFF086;
	s6 =	sadd.s32 @!p0 s3, s7;
	s7 =	simm.s32 @!p0 $0x108  }
0x21: {  	s3 =	sadd.s32 s3, s9;
	s6 =	sadd.s32 @!p0 $0x88, s6;
	s7 =	simm.s32 @p2 $0x1082  }
0x22: {  	[simem:s7], [sflag:s8] =	dma.local @!p0 [hbm:s6], $0xF7A  }
0x23: {  	s9 =	sor.u32 $0xD0000000, s2;
	s6 =	simm.s32 $0x108;
	_ =	swait.ge @!p0 [sflag:s8], $0x0  }
0x24: {  	s3 =	sadd.s32 $0x88, s3;
	s6 =	simm.s32 @!p1 $0x1082;
	[sflag:s4] =	ssyncset.s32 $0xFFFFF086  }
0x25: {  	[simem:s6], [sflag:s4] =	dma.local [hbm:s3], $0xF7A  }
0x26: {  	[smem:$0x3F9D] =	sst s1;
	(tag) =	ssettag s2;
	_ =	strace s9  }
0x27: {  	s1 =	sld [smem:$0x3FAD]  }
0x28: {  	s2 =	sld [smem:$0x3FAE]  }
0x29: {  	s4 =	sld [smem:$0x3FB0]  }
0x2a: {  	p0 =	seq.s32 s5, $0x0;
	s5 =	sld [smem:$0x3FB1]  }
0x2b: {  	s6 =	sld [smem:$0x3FB2]  }
0x2c: {  	s7 =	sld [smem:$0x3FB3]  }
0x2d: {  	s3 =	simm.s32 $0x108;
	s8 =	sld [smem:$0x3FB4]  }
0x2e: {  	s3 =	simm.s32 @!p0 $0x1082;
	s9 =	sld [smem:$0x3FB5]  }
0x2f: {  	lr =	sadd.s32 s0, s3;
	s0 =	sld [smem:$0x3FAC]  }
0x30: {  	s3 =	sld [smem:$0x3FAF]  }
0x31: {  	[smem:$0x3FB8] =	sst s10  }
0x32: {  	s10 =	sld [smem:$0x3FB6];
	_ =	sdelay $0x3  }
0x33: {  	p0 =	seq.s32 s10, $0x1;
	s10 =	sld [smem:$0x3FB8];
	_ =	sdelay $0x3  }
0x34: {  	[smem:$0x3FB8] =	sst s10  }
0x35: {  	s10 =	sld [smem:$0x3FB7];
	_ =	sdelay $0x3  }
0x36: {  	p1 =	seq.s32 s10, $0x1;
	s10 =	sld [smem:$0x3FB8];
	_ =	sdelay $0x3  }
0x37: {  	[smem:$0x3FB8] =	sst s10  }
0x38: {  	s10 =	sld [smem:$0x3FB9]  }
0x39: {  	_ = 	snop;
	(pc) =	sbr.ind lr, $3  }
0x3a: {  	_ = 	snop  }
0x3b: {  	_ = 	snop  }
0x3c: {  	p2 =	seq.s32 s10, $0x1;
	s10 =	sld [smem:$0x3FB8]  }
0x3d: {  	_ =	shalt  }
0x3e: {  	_ =	shalt  }
0x3f: {  	_ =	shalt  }
0x40: {  	_ =	shalt  }
0x41: {  	_ =	shalt  }
0x42: {  	_ =	shalt  }
0x43: {  	_ =	shalt  }
0x44: {  	_ =	shalt  }
0x45: {  	_ =	shalt  }
0x46: {  	_ =	shalt  }
0x47: {  	_ =	shalt  }
0x48: {  	_ =	shalt  }
0x49: {  	_ =	shalt  }
0x4a: {  	_ =	shalt  }
0x4b: {  	_ =	shalt  }
0x4c: {  	_ =	shalt  }
0x4d: {  	_ =	shalt  }
0x4e: {  	_ =	shalt  }
0x4f: {  	_ =	shalt  }
0x50: {  	_ =	shalt  }
0x51: {  	_ =	shalt  }
0x52: {  	_ =	shalt  }
0x53: {  	_ =	shalt  }
0x54: {  	_ =	shalt  }
0x55: {  	_ =	shalt  }
0x56: {  	_ =	shalt  }
0x57: {  	_ =	shalt  }
0x58: {  	_ =	shalt  }
0x59: {  	_ =	shalt  }
0x5a: {  	_ =	shalt  }
0x5b: {  	_ =	shalt  }
0x5c: {  	_ =	shalt  }
0x5d: {  	_ =	shalt  }
0x5e: {  	_ =	shalt  }
0x5f: {  	_ =	shalt  }
0x60: {  	_ =	shalt  }
0x61: {  	_ =	shalt  }
0x62: {  	_ =	shalt  }
0x63: {  	_ =	shalt  }
0x64: {  	_ =	shalt  }
0x65: {  	_ =	shalt  }
0x66: {  	_ =	shalt  }
0x67: {  	_ =	shalt  }
0x68: {  	_ =	shalt  }
0x69: {  	_ =	shalt  }
0x6a: {  	_ =	shalt  }
0x6b: {  	_ =	shalt  }
0x6c: {  	_ =	shalt  }
0x6d: {  	_ =	shalt  }
0x6e: {  	_ =	shalt  }
0x6f: {  	_ =	shalt  }
0x70: {  	_ =	shalt  }
0x71: {  	_ =	shalt  }
0x72: {  	_ =	shalt  }
0x73: {  	_ =	shalt  }
0x74: {  	_ =	shalt  }
0x75: {  	_ =	shalt  }
0x76: {  	_ =	shalt  }
0x77: {  	_ =	shalt  }
0x78: {  	_ =	shalt  }
0x79: {  	_ =	shalt  }
0x7a: {  	_ =	shalt  }
0x7b: {  	_ =	shalt  }
0x7c: {  	_ =	shalt  }
0x7d: {  	_ =	shalt  }
0x7e: {  	_ =	shalt  }
0x7f: {  	_ =	shalt  }
0x80: {  	_ =	shalt  }
0x81: {  	_ =	shalt  }
0x82: {  	_ =	shalt  }
0x83: {  	_ =	shalt  }
0x84: {  	_ =	shalt  }
0x85: {  	_ =	shalt  }
0x86: {  	_ =	shalt  }
0x87: {  	_ =	shalt  }
.Lfunc_end0:
.L_simem_size_0:
called_computation_lowered:
.L_overlay_start_0:
0x88: {  	s2 =	sld [smem:$0x3FD9]  }
0x89: {  	s3 =	sld [smem:$0x3FFE];
	_ =	sdelay $0x1  }
0x8a: {  	s1 =	srdreg.scid  }
0x8b: {  	s0 =	sand.u32 $0x1, s1  }
0x8c: {  	s16 =	sshll.u32 s0, $0xA;
	s2 =	sadd.s32 s3, s2  }
0x8d: {  	s2 =	sadd.s32 s2, s16  }
0x8e: {  	[smem:$0x3FC4] =	sst s2  }
0x8f: {  	_ = 	snop  }
0x90: {  	(tm) =	ssettm $0x1  }
0x91: {  	s17 =	sld [smem:$0x3FFB];
	_ =	sdelay $0x3  }
0x92: {  	_ =	strace s17  }
0x93: {  	s2 =	sld [smem:$0x3FFC];
	_ =	sdelay $0x3  }
0x94: {  	_ =	strace s2  }
0x95: {  	s2 =	sld [smem:$0x3FFD];
	_ =	sdelay $0x3  }
0x96: {  	_ =	strace s2  }
0x97: {  	_ =	strace $0x8FFFFFFF  }
0x98: {  	s18 =	sld [smem:$0x3FDB];
	_ =	sdelay $0x1  }
0x99: {  	s19 =	simm.s32 $_scs_section_size  }
0x9a: {  	s4 =	simm.s32 $_size__tile_overlayer_lowered;
	s5 =	simm.s32 $_tile_overlayer_lowered  }
0x9b: {  	s22 =	simm.s32 $0x1BFF;
	s21 =	sshll.u32 s5, $0x1;
	s2 =	sadd.s32 s19, s18  }
0x9c: {  	s6 =	simm.s32 $0x0;
	s20 =	sshll.u32 s4, $0x1;
	s4 =	sadd.s32 s21, s2  }
0x9d: {  	[timem:s6], [sflag:s22] =	dma.local [hbm:s4], s20  }
0x9e: {  	_ =	swait.ge [sflag:s22], s20  }
0x9f: {  	s3 =	ssub.s32 $0x0, s20;
	[sflag:s22] =	ssyncset.done $0x0  }
0xa0: {  	[sflag:s22] =	ssyncadd.s32 s3;
	_ =	sdelay $0x1  }
0xa1: {  	s23 =	simm.s32 $0x1B8B  }
0xa2: {  	_ =	swait.ge [sflag:s23], $0x1  }
0xa3: {  	[sflag:s23] =	ssyncset.done $0x0  }
0xa4: {  	s25 =	simm.s32 $0x1B8E;
	s24 =	sld [smem:$0x3FFE];
	[sflag:s23] =	ssyncadd.s32 $0xFFFFFFFF  }
0xa5: {  	s26 =	simm.s32 $execute0_lowered;
	[smem:$0x3FD2] =	sst s25  }
0xa6: {  	s4 =	sshll.u32 s26, $0x1;
	_ =	strace $0x80000046;
	[dreg:$0x1] =	wrdreg $0xFFFFFFFF  }
0xa7: {  	s28 =	simm.s32 $_size_execute0_lowered;
	s2 =	sadd.s32 s2, s4;
	[dreg:$0x0] =	wrdreg $0x0  }
0xa8: {  	s4 =	sshll.u32 s28, $0x1;
	[dreg:$0x2] =	wrdreg s2  }
0xa9: {  	[dreg:$0x3] =	wrdreg s4  }
0xaa: {  	[dreg:$0x4] =	wrdreg $0xC0  }
0xab: {  	_ =	task [dreg:s6], $0x5FFFF  }
0xac: {  	[dreg:$0x1] =	wrdreg $0xFFFFFFFF  }
0xad: {  	[dreg:$0x0] =	wrdreg $0x60  }
0xae: {  	[dreg:$0x2] =	wrdreg s24  }
0xaf: {  	[dreg:$0x3] =	wrdreg $0x9  }
0xb0: {  	_ =	task.clear_ibuf [dreg:s6], $0x4FFFF;
	_ =	strace $0x90000046  }
0xb1: {  	s29 =	simm.s32 $0x9;
	_ =	strace $0x80000048  }
0xb2: {  	_ =	swait.ge [sflag:s29], $0x1  }
0xb3: {  	[sflag:s29] =	ssyncadd.s32 $0xFFFFFFFF  }
0xb4: {  	_ =	strace $0x90000048  }
0xb5: {  	_ =	sfence  }
0xb6: {  	s30 =	sld [smem:$0x0];
	_ =	sdelay $0x2  }
0xb7: {  	s31 =	sshll.u32 s1, $0xD;
	s1 =	sshrl.u32 s1, $0x2  }
0xb8: {  	s3 =	sand.u32 $0x4000, s31;
	s1 =	sadd.s32 s1, s30  }
0xb9: {  	s0 =	sor.u32 s3, s0;
	s1 =	sshll.u32 s1, $0x11  }
0xba: {  	s0 =	sor.u32 s1, s0  }
0xbb: {  	s0 =	sadd.s32 $0x8F2B, s0  }
0xbc: {  	[sflag:s0] =	ssyncadd.remote.s32 $0x1  }
0xbd: {  	_ =	sfence.sel $0xFFFF  }
0xbe: {  	[dreg:$0x0] =	wrdreg $0xFFFFFFFF;
	(pc) =	sbr.abs _section_cstart, $3  }
0xbf: {  	[dreg:$0x1] =	wrdreg $0xFFFFFFFF  }
0xc0: {  	_ =	task.clear_ibuf [dreg:s6], $0x2FFFF;
	_ =	strace $0x9FFFFFFF  }
0xc1: {  	(tm) =	ssettm $0x7FFFFFFF  }
tec
execute0_lowered:
.L_overlay_start_1:
0x0: {  	(tag) =	ssettag $0x1  }
0x1: {  	s0 =	srdreg.scid  }
0x2: {  	s2 =	stileid.u32;
	s1 =	rddreg [dreg:$0x0]  }
0x3: {  	s7 =	simm.s32 $0x5;
	s8 =	simm.s32 $0x68;
	s10 =	simm.s32 $0x60  }
0x4: {  	s13 =	simm.s32 $0x9600;
	s14 =	simm.s32 $0x130;
	s15 =	simm.s32 $0xB000  }
0x5: {  	s16 =	simm.s32 $0x190;
	s17 =	simm.s32 $0xC800;
	s18 =	simm.s32 $0x1F8  }
0x6: {  	s19 =	simm.s32 $0xE200;
	s20 =	simm.s32 $0x258;
	s21 =	simm.s32 $0xFA00  }
0x7: {  	s22 =	simm.s32 $0x2C0;
	s23 =	simm.s32 $0x11400;
	s24 =	simm.s32 $0x1  }
0x8: {  	s25 =	simm.s32 $0x2;
	s26 =	simm.s32 $0x3;
	s28 =	simm.s32 $0x4  }
0x9: {  	s29 =	simm.s32 $0x12C00;
	s30 =	simm.s32 $0x0;
	s0 =	sand.u32 $0x1, s0  }
0xa: {  	s3 =	sshll.u32 s2, $0x8;
	s2 =	simm.s32 $0x0;
	s4 =	sshll.u32 s0, $0x7  }
.Ltmp0:
0xb: {  	[smem:$0x7FF] =	sst s2;
	s3 =	sor.u32 s4, s3;
	(pc) =	sbr.rel .LBB2_1-.Ltmp0, $4  }
0xc: {  	s0 =	ssub.s32 $0x2, s0;
	_ =	strace $0x80000047;
	s4 =	smul.u32 $0x19, s3  }
0xd: {  	s31 =	sshrl.u32 s0, $0x1;
	s5 =	sshll.u32 s3, $0x3;
	s3 =	sadd.s32 $0x19800, s1  }
0xe: {  	s0 =	ssub.s32 s0, s31;
	s4 =	sadd.s32 s4, s1;
	s1 =	sadd.s32 s5, s1  }
0xf: {  	s6 =	smax.u32 s0, $0x1;
	s4 =	sadd.s32 $0x800, s4;
	s5 =	sadd.s32 $0x7C9800, s1  }
.LBB2_12:
0x10: {  	s30 =	sadd.s32 $0x1, s30  }
0x11: {  	p0 =	sne.s32 s30, s6  }
.Ltmp1:
0x12: {  	_ = 	snop;
	(pc) =	sbr.rel @!p0 .LBB2_13-.Ltmp1, $4  }
0x13: {  	[hbm4b:s5+s2] =	stream.linear.scatter [tilespmem:s29], [sflag:$0x5], $0x2000, $0x38;
	[tilespmem:$0x14C00] =	vst v63  }
0x14: {  	_ =	swait.ge [sflag:s7], $0x2000  }
0x15: {  	[sflag:s7] =	ssyncset.done $0x0  }
0x16: {  	[sflag:s7] =	ssyncadd.s32 $0xFFFFE000  }
.LBB2_1:
0x17: {  	[tilespmem:s2], [sflag:$0x5] =	stream.linear.gather [hbm4b:s4+s2], $0x6400, $0x38;
	[tilespmem:$0x14C00] =	vst v63  }
0x18: {  	_ =	swait.ge [sflag:s7], $0x6400  }
0x19: {  	[sflag:s7] =	ssyncset.done $0x0  }
0x1a: {  	s0 =	simm.s32 $0x6400;
	[sflag:s7] =	ssyncadd.s32 $0xFFFF9C00  }
0x1b: {  	[tilespmem:s0], [sflag:$0x1] =	stream.indirect.gather [hbm4b:s3+s8], $0x40, s2, s8, $0xb8;
	[tilespmem:$0x14C00] =	vst v63  }
0x1c: {  	s11 =	simm.s32 $0x7E00  }
0x1d: {  	[tilespmem:s11], [sflag:$0x1] =	stream.indirect.gather [hbm4b:s3+s10], $0x40, s8, s10, $0xb8;
	[tilespmem:$0x14C00] =	vst v63  }
0x1e: {  	s12 =	simm.s32 $0xC8  }
0x1f: {  	[tilespmem:s13], [sflag:$0x2] =	stream.indirect.gather [hbm4b:s3+s8], $0x40, s12, s8, $0xb8;
	[tilespmem:$0x14C00] =	vst v63  }
0x20: {  	_ = 	snop  }
0x21: {  	[tilespmem:s15], [sflag:$0x2] =	stream.indirect.gather [hbm4b:s3+s10], $0x40, s14, s10, $0xb8;
	[tilespmem:$0x14C00] =	vst v63  }
0x22: {  	_ = 	snop  }
0x23: {  	[tilespmem:s17], [sflag:$0x3] =	stream.indirect.gather [hbm4b:s3+s8], $0x40, s16, s8, $0xb8;
	[tilespmem:$0x14C00] =	vst v63  }
0x24: {  	_ = 	snop  }
0x25: {  	[tilespmem:s19], [sflag:$0x3] =	stream.indirect.gather [hbm4b:s3+s10], $0x40, s18, s10, $0xb8;
	[tilespmem:$0x14C00] =	vst v63  }
0x26: {  	_ = 	snop  }
0x27: {  	[tilespmem:s21], [sflag:$0x4] =	stream.indirect.gather [hbm4b:s3+s8], $0x40, s20, s8, $0xb8;
	[tilespmem:$0x14C00] =	vst v63  }
0x28: {  	s31 =	simm.s32 $0x0  }
0x29: {  	[tilespmem:s23], [sflag:$0x4] =	stream.indirect.gather [hbm4b:s3+s10], $0x40, s22, s10, $0xb8;
	[tilespmem:$0x14C00] =	vst v63  }
.LBB2_2:
0x2a: {  	_ =	swait.ge [sflag:s24], $0x3200  }
0x2b: {  	[sflag:s24] =	ssyncset.done $0x0  }
0x2c: {  	s0 =	simm.s32 $0x0;
	[sflag:s24] =	ssyncadd.s32 $0xFFFFCE00  }
0x2d: {  	v3 =	vld [tilespmem:s0+$0x6580]  }
0x2e: {  	v4 =	vld [tilespmem:s0+$0x6590]  }
0x2f: {  	v5 =	vld [tilespmem:s0+$0x65A0]  }
0x30: {  	v6 =	vld [tilespmem:s0+$0x65B0]  }
0x31: {  	v0 =	vld [tilespmem:s0+$0x65C0]  }
0x32: {  	v1 =	vld [tilespmem:s0+$0x65D0]  }
0x33: {  	v13 =	vld [tilespmem:s0+$0x6500]  }
0x34: {  	v15 =	vld [tilespmem:s0+$0x6510]  }
0x35: {  	v12 =	vld [tilespmem:s0+$0x6520]  }
0x36: {  	v14 =	vld [tilespmem:s0+$0x6530]  }
0x37: {  	v2 =	vld [tilespmem:s0+$0x6540]  }
0x38: {  	v9 =	vld [tilespmem:s0+$0x6480]  }
0x39: {  	v10 =	vld [tilespmem:s0+$0x6490]  }
0x3a: {  	v11 =	vld [tilespmem:s0+$0x6400]  }
0x3b: {  	v17 =	vld [tilespmem:s0+$0x6410]  }
0x3c: {  	v18 =	vld [tilespmem:s0+$0x6420]  }
0x3d: {  	v19 =	vld [tilespmem:s0+$0x6430]  }
0x3e: {  	v20 =	vld [tilespmem:s0+$0x64A0]  }
0x3f: {  	v24 =	vld [tilespmem:s0+$0x64B0]  }
0x40: {  	v8 =	vimm.f32 $0.0e+00;
	v7 =	vld [tilespmem:s0+$0x6550]  }
0x41: {  	v16 =	vld [tilespmem:s0+$0x64C0];
	v11 =	vadd.f32 v11, v8;
	v22 =	vadd.f32 v17, v8  }
0x42: {  	v17 =	vld [tilespmem:s0+$0x64D0];
	v23 =	vadd.f32 v18, v8;
	v25 =	vadd.f32 v19, v8  }
0x43: {  	v18 =	vld [tilespmem:s0+$0x6440];
	v21 =	vadd.f32 v9, v11;
	v22 =	vadd.f32 v10, v22  }
0x44: {  	v19 =	vld [tilespmem:s0+$0x6450];
	v23 =	vadd.f32 v20, v23;
	v24 =	vadd.f32 v24, v25  }
0x45: {  	s1 =	simm.s32 $0x800;
	v20 =	vld [tilespmem:s0+$0x6460];
	v11 =	vimm.f32 $0.0e+00;
	v10 =	vimm.f32 $0.0e+00;
	v9 =	vimm.f32 $0.0e+00  }
.LBB2_3:
0x46: {  	p0 =	sne.s32 s1, $0xC000;
	v25 =	vld [tilespmem:s0+$0x6470];
	v13 =	vadd.f32 v13, v21;
	v15 =	vadd.f32 v15, v22  }
0x47: {  	v21 =	vld [tilespmem:s0+$0x64E0];
	v12 =	vadd.f32 v12, v23;
	v14 =	vadd.f32 v14, v24  }
0x48: {  	v22 =	vld [tilespmem:s0+$0x64F0];
	v23 =	vadd.f32 v3, v13;
	v24 =	vadd.f32 v4, v15  }
0x49: {  	v13 =	vld [tilespmem:s0+$0x6560];
	v26 =	vadd.f32 v5, v12;
	v27 =	vadd.f32 v6, v14  }
0x4a: {  	v3 =	vadd.f32 v18, v8;
	v4 =	vadd.f32 v19, v11;
	v6 =	vld [tilespmem:s0+$0x6570]  }
0x4b: {  	v5 =	vadd.f32 v20, v10;
	v8 =	vadd.f32 v25, v9;
	v9 =	vld [tilespmem:s0+$0x65E0]  }
0x4c: {  	v10 =	vadd.f32 v16, v3;
	v11 =	vadd.f32 v17, v4;
	v12 =	vld [tilespmem:s0+$0x65F0];
	s0 =	sshra.s32 s1, $0x2  }
0x4d: {  	v14 =	vadd.f32 v21, v5;
	v3 =	vld [tilespmem:s0+$0x6580];
	v8 =	vadd.f32 v22, v8  }
0x4e: {  	v2 =	vadd.f32 v2, v10;
	v7 =	vadd.f32 v7, v11;
	v4 =	vld [tilespmem:s0+$0x6590]  }
0x4f: {  	v10 =	vadd.f32 v13, v14;
	v5 =	vld [tilespmem:s0+$0x65A0];
	v13 =	vadd.f32 v6, v8  }
0x50: {  	v8 =	vadd.f32 v0, v2;
	v11 =	vadd.f32 v1, v7;
	v6 =	vld [tilespmem:s0+$0x65B0]  }
0x51: {  	v10 =	vadd.f32 v9, v10;
	v0 =	vld [tilespmem:s0+$0x65C0];
	v9 =	vadd.f32 v12, v13  }
0x52: {  	v1 =	vld [tilespmem:s0+$0x65D0]  }
0x53: {  	v13 =	vld [tilespmem:s0+$0x6500]  }
0x54: {  	v15 =	vld [tilespmem:s0+$0x6510]  }
0x55: {  	v12 =	vld [tilespmem:s0+$0x6520]  }
0x56: {  	v14 =	vld [tilespmem:s0+$0x6530]  }
0x57: {  	v2 =	vld [tilespmem:s0+$0x6540]  }
0x58: {  	v7 =	vld [tilespmem:s0+$0x6550]  }
0x59: {  	v20 =	vld [tilespmem:s0+$0x6480]  }
0x5a: {  	v22 =	vld [tilespmem:s0+$0x6490]  }
0x5b: {  	v17 =	vld [tilespmem:s0+$0x6400]  }
0x5c: {  	v18 =	vld [tilespmem:s0+$0x6410]  }
0x5d: {  	v19 =	vld [tilespmem:s0+$0x6420]  }
0x5e: {  	v21 =	vld [tilespmem:s0+$0x6430]  }
0x5f: {  	v25 =	vld [tilespmem:s0+$0x64A0]  }
0x60: {  	v28 =	vld [tilespmem:s0+$0x64B0]  }
.Ltmp2:
0x61: {  	v16 =	vld [tilespmem:s0+$0x64C0];
	(pc) =	sbr.rel @p0 .LBB2_3-.Ltmp2, $4  }
0x62: {  	v23 =	vadd.f32 v17, v23;
	v24 =	vadd.f32 v18, v24;
	v17 =	vld [tilespmem:s0+$0x64D0]  }
0x63: {  	v26 =	vadd.f32 v19, v26;
	v27 =	vadd.f32 v21, v27;
	v18 =	vld [tilespmem:s0+$0x6440]  }
0x64: {  	v21 =	vadd.f32 v20, v23;
	v22 =	vadd.f32 v22, v24;
	v19 =	vld [tilespmem:s0+$0x6450]  }
0x65: {  	s1 =	sadd.s32 $0x800, s1;
	v23 =	vadd.f32 v25, v26;
	v20 =	vld [tilespmem:s0+$0x6460];
	v24 =	vadd.f32 v28, v27  }
0x66: {  	v13 =	vadd.f32 v13, v21;
	v15 =	vadd.f32 v15, v22  }
0x67: {  	v21 =	vld [tilespmem:s0+$0x6470];
	v12 =	vadd.f32 v12, v23;
	v14 =	vadd.f32 v14, v24  }
0x68: {  	v22 =	vld [tilespmem:s0+$0x64E0];
	v3 =	vadd.f32 v3, v13;
	v4 =	vadd.f32 v4, v15  }
0x69: {  	v13 =	vld [tilespmem:s0+$0x64F0];
	v8 =	vadd.f32 v18, v8;
	v5 =	vadd.f32 v5, v12  }
0x6a: {  	v12 =	vld [tilespmem:s0+$0x6560];
	v6 =	vadd.f32 v6, v14;
	v11 =	vadd.f32 v19, v11  }
0x6b: {  	v14 =	vld [tilespmem:s0+$0x6570];
	v10 =	vadd.f32 v20, v10;
	v8 =	vadd.f32 v16, v8  }
0x6c: {  	v15 =	vld [tilespmem:s0+$0x65E0];
	v9 =	vadd.f32 v21, v9;
	v11 =	vadd.f32 v17, v11  }
0x6d: {  	v16 =	vld [tilespmem:s0+$0x65F0];
	v10 =	vadd.f32 v22, v10;
	v2 =	vadd.f32 v2, v8  }
0x6e: {  	v8 =	vadd.f32 v13, v9;
	v7 =	vadd.f32 v7, v11  }
0x6f: {  	v9 =	vadd.f32 v12, v10;
	v0 =	vadd.f32 v0, v2  }
0x70: {  	v2 =	vadd.f32 v14, v8;
	v1 =	vadd.f32 v1, v7  }
0x71: {  	s12 =	sshll.u32 s31, $0x8;
	v7 =	vadd.f32 v15, v9;
	v0 =	vadd.f32 v0, v3  }
0x72: {  	p0 =	seq.s32 s31, $0x1F;
	s1 =	sand.u32 $0x3FFFFF00, s12;
	v2 =	vadd.f32 v16, v2;
	v1 =	vadd.f32 v1, v4  }
0x73: {  	s0 =	smul.u32 @!p0 $0xC80, s31;
	[tilespmem:s1+$0x12C00] =	vst v0;
	v0 =	vadd.f32 v7, v5  }
0x74: {  	[tilespmem:s1+$0x12C10] =	vst v1;
	v1 =	vadd.f32 v2, v6  }
0x75: {  	s0 =	sshra.s32 @!p0 s0, $0x2;
	[tilespmem:s1+$0x12C20] =	vst v0  }
0x76: {  	s11 =	simm.s32 @!p0 $0x68;
	s12 =	simm.s32 @!p0 $0x6400;
	s9 =	sadd.s32 @!p0 $0x320, s0;
	[tilespmem:s1+$0x12C30] =	vst v1  }
0x77: {  	[tilespmem:s12], [sflag:$0x1] =	stream.indirect.gather @!p0 [hbm4b:s3+s11], $0x40, s9, s11, $0xb8;
	[tilespmem:$0x14C00] =	vst v63  }
0x78: {  	s9 =	sadd.s32 @!p0 $0x388, s0;
	s11 =	simm.s32 @!p0 $0x60;
	s12 =	simm.s32 @!p0 $0x7E00  }
0x79: {  	[tilespmem:s12], [sflag:$0x1] =	stream.indirect.gather @!p0 [hbm4b:s3+s11], $0x40, s9, s11, $0xb8;
	[tilespmem:$0x14C00] =	vst v63  }
0x7a: {  	_ =	swait.ge [sflag:s25], $0x3200  }
0x7b: {  	[sflag:s25] =	ssyncset.done $0x0  }
0x7c: {  	s9 =	simm.s32 $0x0;
	[sflag:s25] =	ssyncadd.s32 $0xFFFFCE00  }
0x7d: {  	v3 =	vld [tilespmem:s9+$0x9780]  }
0x7e: {  	v4 =	vld [tilespmem:s9+$0x9790]  }
0x7f: {  	v5 =	vld [tilespmem:s9+$0x97A0]  }
0x80: {  	v6 =	vld [tilespmem:s9+$0x97B0]  }
0x81: {  	v0 =	vld [tilespmem:s9+$0x97C0]  }
0x82: {  	v1 =	vld [tilespmem:s9+$0x97D0]  }
0x83: {  	v13 =	vld [tilespmem:s9+$0x9700]  }
0x84: {  	v15 =	vld [tilespmem:s9+$0x9710]  }
0x85: {  	v12 =	vld [tilespmem:s9+$0x9720]  }
0x86: {  	v14 =	vld [tilespmem:s9+$0x9730]  }
0x87: {  	v2 =	vld [tilespmem:s9+$0x9740]  }
0x88: {  	v9 =	vld [tilespmem:s9+$0x9680]  }
0x89: {  	v10 =	vld [tilespmem:s9+$0x9690]  }
0x8a: {  	v11 =	vld [tilespmem:s9+$0x9600]  }
0x8b: {  	v17 =	vld [tilespmem:s9+$0x9610]  }
0x8c: {  	v18 =	vld [tilespmem:s9+$0x9620]  }
0x8d: {  	v19 =	vld [tilespmem:s9+$0x9630]  }
0x8e: {  	v20 =	vld [tilespmem:s9+$0x96A0]  }
0x8f: {  	v24 =	vld [tilespmem:s9+$0x96B0]  }
0x90: {  	v8 =	vimm.f32 $0.0e+00;
	v7 =	vld [tilespmem:s9+$0x9750]  }
0x91: {  	v16 =	vld [tilespmem:s9+$0x96C0];
	v11 =	vadd.f32 v11, v8;
	v22 =	vadd.f32 v17, v8  }
0x92: {  	v17 =	vld [tilespmem:s9+$0x96D0];
	v23 =	vadd.f32 v18, v8;
	v25 =	vadd.f32 v19, v8  }
0x93: {  	v18 =	vld [tilespmem:s9+$0x9640];
	v21 =	vadd.f32 v9, v11;
	v22 =	vadd.f32 v10, v22  }
0x94: {  	v19 =	vld [tilespmem:s9+$0x9650];
	v23 =	vadd.f32 v20, v23;
	v24 =	vadd.f32 v24, v25  }
0x95: {  	s11 =	simm.s32 $0x800;
	v20 =	vld [tilespmem:s9+$0x9660];
	v11 =	vimm.f32 $0.0e+00;
	v10 =	vimm.f32 $0.0e+00;
	v9 =	vimm.f32 $0.0e+00  }
.LBB2_5:
0x96: {  	p1 =	sne.s32 s11, $0xC000;
	v25 =	vld [tilespmem:s9+$0x9670];
	v13 =	vadd.f32 v13, v21;
	v15 =	vadd.f32 v15, v22  }
0x97: {  	v21 =	vld [tilespmem:s9+$0x96E0];
	v12 =	vadd.f32 v12, v23;
	v14 =	vadd.f32 v14, v24  }
0x98: {  	v22 =	vld [tilespmem:s9+$0x96F0];
	v23 =	vadd.f32 v3, v13;
	v24 =	vadd.f32 v4, v15  }
0x99: {  	v13 =	vld [tilespmem:s9+$0x9760];
	v26 =	vadd.f32 v5, v12;
	v27 =	vadd.f32 v6, v14  }
0x9a: {  	v3 =	vadd.f32 v18, v8;
	v4 =	vadd.f32 v19, v11;
	v6 =	vld [tilespmem:s9+$0x9770]  }
0x9b: {  	v5 =	vadd.f32 v20, v10;
	v8 =	vadd.f32 v25, v9;
	v9 =	vld [tilespmem:s9+$0x97E0]  }
0x9c: {  	v10 =	vadd.f32 v16, v3;
	v11 =	vadd.f32 v17, v4;
	v12 =	vld [tilespmem:s9+$0x97F0];
	s9 =	sshra.s32 s11, $0x2  }
0x9d: {  	v14 =	vadd.f32 v21, v5;
	v3 =	vld [tilespmem:s9+$0x9780];
	v8 =	vadd.f32 v22, v8  }
0x9e: {  	v2 =	vadd.f32 v2, v10;
	v7 =	vadd.f32 v7, v11;
	v4 =	vld [tilespmem:s9+$0x9790]  }
0x9f: {  	v10 =	vadd.f32 v13, v14;
	v5 =	vld [tilespmem:s9+$0x97A0];
	v13 =	vadd.f32 v6, v8  }
0xa0: {  	v8 =	vadd.f32 v0, v2;
	v11 =	vadd.f32 v1, v7;
	v6 =	vld [tilespmem:s9+$0x97B0]  }
0xa1: {  	v10 =	vadd.f32 v9, v10;
	v0 =	vld [tilespmem:s9+$0x97C0];
	v9 =	vadd.f32 v12, v13  }
0xa2: {  	v1 =	vld [tilespmem:s9+$0x97D0]  }
0xa3: {  	v13 =	vld [tilespmem:s9+$0x9700]  }
0xa4: {  	v15 =	vld [tilespmem:s9+$0x9710]  }
0xa5: {  	v12 =	vld [tilespmem:s9+$0x9720]  }
0xa6: {  	v14 =	vld [tilespmem:s9+$0x9730]  }
0xa7: {  	v2 =	vld [tilespmem:s9+$0x9740]  }
0xa8: {  	v7 =	vld [tilespmem:s9+$0x9750]  }
0xa9: {  	v20 =	vld [tilespmem:s9+$0x9680]  }
0xaa: {  	v22 =	vld [tilespmem:s9+$0x9690]  }
0xab: {  	v17 =	vld [tilespmem:s9+$0x9600]  }
0xac: {  	v18 =	vld [tilespmem:s9+$0x9610]  }
0xad: {  	v19 =	vld [tilespmem:s9+$0x9620]  }
0xae: {  	v21 =	vld [tilespmem:s9+$0x9630]  }
0xaf: {  	v25 =	vld [tilespmem:s9+$0x96A0]  }
0xb0: {  	v28 =	vld [tilespmem:s9+$0x96B0]  }
.Ltmp3:
0xb1: {  	v16 =	vld [tilespmem:s9+$0x96C0];
	(pc) =	sbr.rel @p1 .LBB2_5-.Ltmp3, $4  }
0xb2: {  	v23 =	vadd.f32 v17, v23;
	v24 =	vadd.f32 v18, v24;
	v17 =	vld [tilespmem:s9+$0x96D0]  }
0xb3: {  	v26 =	vadd.f32 v19, v26;
	v27 =	vadd.f32 v21, v27;
	v18 =	vld [tilespmem:s9+$0x9640]  }
0xb4: {  	v21 =	vadd.f32 v20, v23;
	v22 =	vadd.f32 v22, v24;
	v19 =	vld [tilespmem:s9+$0x9650]  }
0xb5: {  	s11 =	sadd.s32 $0x800, s11;
	v23 =	vadd.f32 v25, v26;
	v20 =	vld [tilespmem:s9+$0x9660];
	v24 =	vadd.f32 v28, v27  }
0xb6: {  	v13 =	vadd.f32 v13, v21;
	v15 =	vadd.f32 v15, v22  }
0xb7: {  	v21 =	vld [tilespmem:s9+$0x9670];
	v12 =	vadd.f32 v12, v23;
	v14 =	vadd.f32 v14, v24  }
0xb8: {  	v22 =	vld [tilespmem:s9+$0x96E0];
	v3 =	vadd.f32 v3, v13;
	v4 =	vadd.f32 v4, v15  }
0xb9: {  	v13 =	vld [tilespmem:s9+$0x96F0];
	v8 =	vadd.f32 v18, v8;
	v5 =	vadd.f32 v5, v12  }
0xba: {  	v12 =	vld [tilespmem:s9+$0x9760];
	v6 =	vadd.f32 v6, v14;
	v11 =	vadd.f32 v19, v11  }
0xbb: {  	v14 =	vld [tilespmem:s9+$0x9770];
	v10 =	vadd.f32 v20, v10;
	v8 =	vadd.f32 v16, v8  }
0xbc: {  	v15 =	vld [tilespmem:s9+$0x97E0];
	v9 =	vadd.f32 v21, v9;
	v11 =	vadd.f32 v17, v11  }
0xbd: {  	v16 =	vld [tilespmem:s9+$0x97F0];
	v10 =	vadd.f32 v22, v10;
	v2 =	vadd.f32 v2, v8  }
0xbe: {  	v8 =	vadd.f32 v13, v9;
	v7 =	vadd.f32 v7, v11  }
0xbf: {  	v9 =	vadd.f32 v12, v10;
	v0 =	vadd.f32 v0, v2  }
0xc0: {  	v2 =	vadd.f32 v14, v8;
	v1 =	vadd.f32 v1, v7  }
0xc1: {  	v7 =	vadd.f32 v15, v9;
	v0 =	vadd.f32 v0, v3  }
0xc2: {  	v2 =	vadd.f32 v16, v2;
	v1 =	vadd.f32 v1, v4  }
0xc3: {  	[tilespmem:s1+$0x12C40] =	vst v0;
	v0 =	vadd.f32 v7, v5  }
0xc4: {  	[tilespmem:s1+$0x12C50] =	vst v1;
	v1 =	vadd.f32 v2, v6  }
0xc5: {  	[tilespmem:s1+$0x12C60] =	vst v0  }
0xc6: {  	s11 =	simm.s32 @!p0 $0x68;
	s12 =	simm.s32 @!p0 $0x9600;
	s9 =	sadd.s32 @!p0 $0x3E8, s0;
	[tilespmem:s1+$0x12C70] =	vst v1  }
0xc7: {  	[tilespmem:s12], [sflag:$0x2] =	stream.indirect.gather @!p0 [hbm4b:s3+s11], $0x40, s9, s11, $0xb8;
	[tilespmem:$0x14C00] =	vst v63  }
0xc8: {  	s9 =	sadd.s32 @!p0 $0x450, s0;
	s11 =	simm.s32 @!p0 $0x60;
	s12 =	simm.s32 @!p0 $0xB000  }
0xc9: {  	[tilespmem:s12], [sflag:$0x2] =	stream.indirect.gather @!p0 [hbm4b:s3+s11], $0x40, s9, s11, $0xb8;
	[tilespmem:$0x14C00] =	vst v63  }
0xca: {  	_ =	swait.ge [sflag:s26], $0x3200  }
0xcb: {  	[sflag:s26] =	ssyncset.done $0x0  }
0xcc: {  	s9 =	simm.s32 $0x0;
	[sflag:s26] =	ssyncadd.s32 $0xFFFFCE00  }
0xcd: {  	v3 =	vld [tilespmem:s9+$0xC980]  }
0xce: {  	v4 =	vld [tilespmem:s9+$0xC990]  }
0xcf: {  	v5 =	vld [tilespmem:s9+$0xC9A0]  }
0xd0: {  	v6 =	vld [tilespmem:s9+$0xC9B0]  }
0xd1: {  	v0 =	vld [tilespmem:s9+$0xC9C0]  }
0xd2: {  	v1 =	vld [tilespmem:s9+$0xC9D0]  }
0xd3: {  	v13 =	vld [tilespmem:s9+$0xC900]  }
0xd4: {  	v15 =	vld [tilespmem:s9+$0xC910]  }
0xd5: {  	v12 =	vld [tilespmem:s9+$0xC920]  }
0xd6: {  	v14 =	vld [tilespmem:s9+$0xC930]  }
0xd7: {  	v2 =	vld [tilespmem:s9+$0xC940]  }
0xd8: {  	v9 =	vld [tilespmem:s9+$0xC880]  }
0xd9: {  	v10 =	vld [tilespmem:s9+$0xC890]  }
0xda: {  	v11 =	vld [tilespmem:s9+$0xC800]  }
0xdb: {  	v17 =	vld [tilespmem:s9+$0xC810]  }
0xdc: {  	v18 =	vld [tilespmem:s9+$0xC820]  }
0xdd: {  	v19 =	vld [tilespmem:s9+$0xC830]  }
0xde: {  	v20 =	vld [tilespmem:s9+$0xC8A0]  }
0xdf: {  	v24 =	vld [tilespmem:s9+$0xC8B0]  }
0xe0: {  	v8 =	vimm.f32 $0.0e+00;
	v7 =	vld [tilespmem:s9+$0xC950]  }
0xe1: {  	v16 =	vld [tilespmem:s9+$0xC8C0];
	v11 =	vadd.f32 v11, v8;
	v22 =	vadd.f32 v17, v8  }
0xe2: {  	v17 =	vld [tilespmem:s9+$0xC8D0];
	v23 =	vadd.f32 v18, v8;
	v25 =	vadd.f32 v19, v8  }
0xe3: {  	v18 =	vld [tilespmem:s9+$0xC840];
	v21 =	vadd.f32 v9, v11;
	v22 =	vadd.f32 v10, v22  }
0xe4: {  	v19 =	vld [tilespmem:s9+$0xC850];
	v23 =	vadd.f32 v20, v23;
	v24 =	vadd.f32 v24, v25  }
0xe5: {  	s11 =	simm.s32 $0x800;
	v20 =	vld [tilespmem:s9+$0xC860];
	v11 =	vimm.f32 $0.0e+00;
	v10 =	vimm.f32 $0.0e+00;
	v9 =	vimm.f32 $0.0e+00  }
.LBB2_7:
0xe6: {  	p1 =	sne.s32 s11, $0xC000;
	v25 =	vld [tilespmem:s9+$0xC870];
	v13 =	vadd.f32 v13, v21;
	v15 =	vadd.f32 v15, v22  }
0xe7: {  	v21 =	vld [tilespmem:s9+$0xC8E0];
	v12 =	vadd.f32 v12, v23;
	v14 =	vadd.f32 v14, v24  }
0xe8: {  	v22 =	vld [tilespmem:s9+$0xC8F0];
	v23 =	vadd.f32 v3, v13;
	v24 =	vadd.f32 v4, v15  }
0xe9: {  	v13 =	vld [tilespmem:s9+$0xC960];
	v26 =	vadd.f32 v5, v12;
	v27 =	vadd.f32 v6, v14  }
0xea: {  	v3 =	vadd.f32 v18, v8;
	v4 =	vadd.f32 v19, v11;
	v6 =	vld [tilespmem:s9+$0xC970]  }
0xeb: {  	v5 =	vadd.f32 v20, v10;
	v8 =	vadd.f32 v25, v9;
	v9 =	vld [tilespmem:s9+$0xC9E0]  }
0xec: {  	v10 =	vadd.f32 v16, v3;
	v11 =	vadd.f32 v17, v4;
	v12 =	vld [tilespmem:s9+$0xC9F0];
	s9 =	sshra.s32 s11, $0x2  }
0xed: {  	v14 =	vadd.f32 v21, v5;
	v3 =	vld [tilespmem:s9+$0xC980];
	v8 =	vadd.f32 v22, v8  }
0xee: {  	v2 =	vadd.f32 v2, v10;
	v7 =	vadd.f32 v7, v11;
	v4 =	vld [tilespmem:s9+$0xC990]  }
0xef: {  	v10 =	vadd.f32 v13, v14;
	v5 =	vld [tilespmem:s9+$0xC9A0];
	v13 =	vadd.f32 v6, v8  }
0xf0: {  	v8 =	vadd.f32 v0, v2;
	v11 =	vadd.f32 v1, v7;
	v6 =	vld [tilespmem:s9+$0xC9B0]  }
0xf1: {  	v10 =	vadd.f32 v9, v10;
	v0 =	vld [tilespmem:s9+$0xC9C0];
	v9 =	vadd.f32 v12, v13  }
0xf2: {  	v1 =	vld [tilespmem:s9+$0xC9D0]  }
0xf3: {  	v13 =	vld [tilespmem:s9+$0xC900]  }
0xf4: {  	v15 =	vld [tilespmem:s9+$0xC910]  }
0xf5: {  	v12 =	vld [tilespmem:s9+$0xC920]  }
0xf6: {  	v14 =	vld [tilespmem:s9+$0xC930]  }
0xf7: {  	v2 =	vld [tilespmem:s9+$0xC940]  }
0xf8: {  	v7 =	vld [tilespmem:s9+$0xC950]  }
0xf9: {  	v20 =	vld [tilespmem:s9+$0xC880]  }
0xfa: {  	v22 =	vld [tilespmem:s9+$0xC890]  }
0xfb: {  	v17 =	vld [tilespmem:s9+$0xC800]  }
0xfc: {  	v18 =	vld [tilespmem:s9+$0xC810]  }
0xfd: {  	v19 =	vld [tilespmem:s9+$0xC820]  }
0xfe: {  	v21 =	vld [tilespmem:s9+$0xC830]  }
0xff: {  	v25 =	vld [tilespmem:s9+$0xC8A0]  }
0x100: {  	v28 =	vld [tilespmem:s9+$0xC8B0]  }
.Ltmp4:
0x101: {  	v16 =	vld [tilespmem:s9+$0xC8C0];
	(pc) =	sbr.rel @p1 .LBB2_7-.Ltmp4, $4  }
0x102: {  	v23 =	vadd.f32 v17, v23;
	v24 =	vadd.f32 v18, v24;
	v17 =	vld [tilespmem:s9+$0xC8D0]  }
0x103: {  	v26 =	vadd.f32 v19, v26;
	v27 =	vadd.f32 v21, v27;
	v18 =	vld [tilespmem:s9+$0xC840]  }
0x104: {  	v21 =	vadd.f32 v20, v23;
	v22 =	vadd.f32 v22, v24;
	v19 =	vld [tilespmem:s9+$0xC850]  }
0x105: {  	s11 =	sadd.s32 $0x800, s11;
	v23 =	vadd.f32 v25, v26;
	v20 =	vld [tilespmem:s9+$0xC860];
	v24 =	vadd.f32 v28, v27  }
0x106: {  	v13 =	vadd.f32 v13, v21;
	v15 =	vadd.f32 v15, v22  }
0x107: {  	v21 =	vld [tilespmem:s9+$0xC870];
	v12 =	vadd.f32 v12, v23;
	v14 =	vadd.f32 v14, v24  }
0x108: {  	v22 =	vld [tilespmem:s9+$0xC8E0];
	v3 =	vadd.f32 v3, v13;
	v4 =	vadd.f32 v4, v15  }
0x109: {  	v13 =	vld [tilespmem:s9+$0xC8F0];
	v8 =	vadd.f32 v18, v8;
	v5 =	vadd.f32 v5, v12  }
0x10a: {  	v12 =	vld [tilespmem:s9+$0xC960];
	v6 =	vadd.f32 v6, v14;
	v11 =	vadd.f32 v19, v11  }
0x10b: {  	v14 =	vld [tilespmem:s9+$0xC970];
	v10 =	vadd.f32 v20, v10;
	v8 =	vadd.f32 v16, v8  }
0x10c: {  	v15 =	vld [tilespmem:s9+$0xC9E0];
	v9 =	vadd.f32 v21, v9;
	v11 =	vadd.f32 v17, v11  }
0x10d: {  	v16 =	vld [tilespmem:s9+$0xC9F0];
	v10 =	vadd.f32 v22, v10;
	v2 =	vadd.f32 v2, v8  }
0x10e: {  	v8 =	vadd.f32 v13, v9;
	v7 =	vadd.f32 v7, v11  }
0x10f: {  	v9 =	vadd.f32 v12, v10;
	v0 =	vadd.f32 v0, v2  }
0x110: {  	v2 =	vadd.f32 v14, v8;
	v1 =	vadd.f32 v1, v7  }
0x111: {  	v7 =	vadd.f32 v15, v9;
	v0 =	vadd.f32 v0, v3  }
0x112: {  	v2 =	vadd.f32 v16, v2;
	v1 =	vadd.f32 v1, v4  }
0x113: {  	[tilespmem:s1+$0x12C80] =	vst v0;
	v0 =	vadd.f32 v7, v5  }
0x114: {  	[tilespmem:s1+$0x12C90] =	vst v1;
	v1 =	vadd.f32 v2, v6  }
0x115: {  	[tilespmem:s1+$0x12CA0] =	vst v0  }
0x116: {  	s11 =	simm.s32 @!p0 $0x68;
	s12 =	simm.s32 @!p0 $0xC800;
	s9 =	sadd.s32 @!p0 $0x4B0, s0;
	[tilespmem:s1+$0x12CB0] =	vst v1  }
0x117: {  	[tilespmem:s12], [sflag:$0x3] =	stream.indirect.gather @!p0 [hbm4b:s3+s11], $0x40, s9, s11, $0xb8;
	[tilespmem:$0x14C00] =	vst v63  }
0x118: {  	s0 =	sadd.s32 @!p0 $0x518, s0;
	s9 =	simm.s32 @!p0 $0x60;
	s11 =	simm.s32 @!p0 $0xE200  }
0x119: {  	[tilespmem:s11], [sflag:$0x3] =	stream.indirect.gather @!p0 [hbm4b:s3+s9], $0x40, s0, s9, $0xb8;
	[tilespmem:$0x14C00] =	vst v63  }
0x11a: {  	_ =	swait.ge [sflag:s28], $0x3200  }
0x11b: {  	[sflag:s28] =	ssyncset.done $0x0  }
0x11c: {  	s0 =	simm.s32 $0x0;
	[sflag:s28] =	ssyncadd.s32 $0xFFFFCE00  }
0x11d: {  	v3 =	vld [tilespmem:s0+$0xFB80]  }
0x11e: {  	v4 =	vld [tilespmem:s0+$0xFB90]  }
0x11f: {  	v5 =	vld [tilespmem:s0+$0xFBA0]  }
0x120: {  	v6 =	vld [tilespmem:s0+$0xFBB0]  }
0x121: {  	v0 =	vld [tilespmem:s0+$0xFBC0]  }
0x122: {  	v1 =	vld [tilespmem:s0+$0xFBD0]  }
0x123: {  	v13 =	vld [tilespmem:s0+$0xFB00]  }
0x124: {  	v15 =	vld [tilespmem:s0+$0xFB10]  }
0x125: {  	v12 =	vld [tilespmem:s0+$0xFB20]  }
0x126: {  	v14 =	vld [tilespmem:s0+$0xFB30]  }
0x127: {  	v2 =	vld [tilespmem:s0+$0xFB40]  }
0x128: {  	v9 =	vld [tilespmem:s0+$0xFA80]  }
0x129: {  	v10 =	vld [tilespmem:s0+$0xFA90]  }
0x12a: {  	v11 =	vld [tilespmem:s0+$0xFA00]  }
0x12b: {  	v17 =	vld [tilespmem:s0+$0xFA10]  }
0x12c: {  	v18 =	vld [tilespmem:s0+$0xFA20]  }
0x12d: {  	v19 =	vld [tilespmem:s0+$0xFA30]  }
0x12e: {  	v20 =	vld [tilespmem:s0+$0xFAA0]  }
0x12f: {  	v24 =	vld [tilespmem:s0+$0xFAB0]  }
0x130: {  	v8 =	vimm.f32 $0.0e+00;
	v7 =	vld [tilespmem:s0+$0xFB50]  }
0x131: {  	v16 =	vld [tilespmem:s0+$0xFAC0];
	v11 =	vadd.f32 v11, v8;
	v22 =	vadd.f32 v17, v8  }
0x132: {  	v17 =	vld [tilespmem:s0+$0xFAD0];
	v23 =	vadd.f32 v18, v8;
	v25 =	vadd.f32 v19, v8  }
0x133: {  	v18 =	vld [tilespmem:s0+$0xFA40];
	v21 =	vadd.f32 v9, v11;
	v22 =	vadd.f32 v10, v22  }
0x134: {  	v19 =	vld [tilespmem:s0+$0xFA50];
	v23 =	vadd.f32 v20, v23;
	v24 =	vadd.f32 v24, v25  }
0x135: {  	s9 =	simm.s32 $0x800;
	v20 =	vld [tilespmem:s0+$0xFA60];
	v11 =	vimm.f32 $0.0e+00;
	v10 =	vimm.f32 $0.0e+00;
	v9 =	vimm.f32 $0.0e+00  }
.LBB2_9:
0x136: {  	p1 =	sne.s32 s9, $0xC000;
	v25 =	vld [tilespmem:s0+$0xFA70];
	v13 =	vadd.f32 v13, v21;
	v15 =	vadd.f32 v15, v22  }
0x137: {  	v21 =	vld [tilespmem:s0+$0xFAE0];
	v12 =	vadd.f32 v12, v23;
	v14 =	vadd.f32 v14, v24  }
0x138: {  	v22 =	vld [tilespmem:s0+$0xFAF0];
	v23 =	vadd.f32 v3, v13;
	v24 =	vadd.f32 v4, v15  }
0x139: {  	v13 =	vld [tilespmem:s0+$0xFB60];
	v26 =	vadd.f32 v5, v12;
	v27 =	vadd.f32 v6, v14  }
0x13a: {  	v3 =	vadd.f32 v18, v8;
	v4 =	vadd.f32 v19, v11;
	v6 =	vld [tilespmem:s0+$0xFB70]  }
0x13b: {  	v5 =	vadd.f32 v20, v10;
	v8 =	vadd.f32 v25, v9;
	v9 =	vld [tilespmem:s0+$0xFBE0]  }
0x13c: {  	v10 =	vadd.f32 v16, v3;
	v11 =	vadd.f32 v17, v4;
	v12 =	vld [tilespmem:s0+$0xFBF0];
	s0 =	sshra.s32 s9, $0x2  }
0x13d: {  	v14 =	vadd.f32 v21, v5;
	v3 =	vld [tilespmem:s0+$0xFB80];
	v8 =	vadd.f32 v22, v8  }
0x13e: {  	v2 =	vadd.f32 v2, v10;
	v7 =	vadd.f32 v7, v11;
	v4 =	vld [tilespmem:s0+$0xFB90]  }
0x13f: {  	v10 =	vadd.f32 v13, v14;
	v5 =	vld [tilespmem:s0+$0xFBA0];
	v13 =	vadd.f32 v6, v8  }
0x140: {  	v8 =	vadd.f32 v0, v2;
	v11 =	vadd.f32 v1, v7;
	v6 =	vld [tilespmem:s0+$0xFBB0]  }
0x141: {  	v10 =	vadd.f32 v9, v10;
	v0 =	vld [tilespmem:s0+$0xFBC0];
	v9 =	vadd.f32 v12, v13  }
0x142: {  	v1 =	vld [tilespmem:s0+$0xFBD0]  }
0x143: {  	v13 =	vld [tilespmem:s0+$0xFB00]  }
0x144: {  	v15 =	vld [tilespmem:s0+$0xFB10]  }
0x145: {  	v12 =	vld [tilespmem:s0+$0xFB20]  }
0x146: {  	v14 =	vld [tilespmem:s0+$0xFB30]  }
0x147: {  	v2 =	vld [tilespmem:s0+$0xFB40]  }
0x148: {  	v7 =	vld [tilespmem:s0+$0xFB50]  }
0x149: {  	v20 =	vld [tilespmem:s0+$0xFA80]  }
0x14a: {  	v22 =	vld [tilespmem:s0+$0xFA90]  }
0x14b: {  	v17 =	vld [tilespmem:s0+$0xFA00]  }
0x14c: {  	v18 =	vld [tilespmem:s0+$0xFA10]  }
0x14d: {  	v19 =	vld [tilespmem:s0+$0xFA20]  }
0x14e: {  	v21 =	vld [tilespmem:s0+$0xFA30]  }
0x14f: {  	v25 =	vld [tilespmem:s0+$0xFAA0]  }
0x150: {  	v28 =	vld [tilespmem:s0+$0xFAB0]  }
.Ltmp5:
0x151: {  	v16 =	vld [tilespmem:s0+$0xFAC0];
	(pc) =	sbr.rel @p1 .LBB2_9-.Ltmp5, $4  }
0x152: {  	v23 =	vadd.f32 v17, v23;
	v24 =	vadd.f32 v18, v24;
	v17 =	vld [tilespmem:s0+$0xFAD0]  }
0x153: {  	v26 =	vadd.f32 v19, v26;
	v27 =	vadd.f32 v21, v27;
	v18 =	vld [tilespmem:s0+$0xFA40]  }
0x154: {  	v21 =	vadd.f32 v20, v23;
	v22 =	vadd.f32 v22, v24;
	v19 =	vld [tilespmem:s0+$0xFA50]  }
0x155: {  	s9 =	sadd.s32 $0x800, s9;
	v23 =	vadd.f32 v25, v26;
	v20 =	vld [tilespmem:s0+$0xFA60];
	v24 =	vadd.f32 v28, v27  }
0x156: {  	v13 =	vadd.f32 v13, v21;
	v15 =	vadd.f32 v15, v22  }
0x157: {  	v51 =	vld [tilespmem:s0+$0xFA70];
	v12 =	vadd.f32 v12, v23;
	v14 =	vadd.f32 v14, v24  }
0x158: {  	v52 =	vld [tilespmem:s0+$0xFAE0];
	v3 =	vadd.f32 v3, v13;
	v4 =	vadd.f32 v4, v15  }
0x159: {  	v53 =	vld [tilespmem:s0+$0xFAF0];
	v8 =	vadd.f32 v18, v8;
	v5 =	vadd.f32 v5, v12  }
0x15a: {  	v54 =	vld [tilespmem:s0+$0xFB60];
	v6 =	vadd.f32 v6, v14;
	v11 =	vadd.f32 v19, v11  }
0x15b: {  	v55 =	vld [tilespmem:s0+$0xFB70];
	v10 =	vadd.f32 v20, v10;
	v8 =	vadd.f32 v16, v8  }
0x15c: {  	v56 =	vld [tilespmem:s0+$0xFBE0];
	v9 =	vadd.f32 v51, v9;
	v11 =	vadd.f32 v17, v11  }
0x15d: {  	v57 =	vld [tilespmem:s0+$0xFBF0];
	v10 =	vadd.f32 v52, v10;
	v2 =	vadd.f32 v2, v8  }
0x15e: {  	v58 =	vadd.f32 v53, v9;
	v7 =	vadd.f32 v7, v11  }
0x15f: {  	v59 =	vadd.f32 v54, v10;
	v0 =	vadd.f32 v0, v2  }
0x160: {  	v60 =	vadd.f32 v55, v58;
	v1 =	vadd.f32 v1, v7  }
0x161: {  	v61 =	vadd.f32 v56, v59;
	v0 =	vadd.f32 v0, v3  }
.Ltmp6:
0x162: {  	v2 =	vadd.f32 v57, v60;
	v1 =	vadd.f32 v1, v4;
	(pc) =	sbr.rel @p0 .LBB2_12-.Ltmp6, $4  }
0x163: {  	[tilespmem:s1+$0x12CC0] =	vst v0;
	v62 =	vadd.f32 v61, v5  }
0x164: {  	[tilespmem:s1+$0x12CD0] =	vst v1;
	v63 =	vadd.f32 v2, v6  }
0x165: {  	[tilespmem:s1+$0x12CE0] =	vst v62  }
0x166: {  	[tilespmem:s1+$0x12CF0] =	vst v63  }
0x167: {  	s0 =	smul.u32 $0xC80, s31;
	_ =	sdelay $0x1  }
.Ltmp7:
0x168: {  	s0 =	sshra.s32 s0, $0x2;
	(pc) =	sbr.rel .LBB2_2-.Ltmp7, $4  }
0x169: {  	s1 =	sadd.s32 $0x578, s0  }
0x16a: {  	[tilespmem:s21], [sflag:$0x4] =	stream.indirect.gather [hbm4b:s3+s8], $0x40, s1, s8, $0xb8;
	[tilespmem:$0x14C00] =	vst v63  }
0x16b: {  	s31 =	sadd.s32 $0x1, s31;
	s0 =	sadd.s32 $0x5E0, s0  }
0x16c: {  	[tilespmem:s23], [sflag:$0x4] =	stream.indirect.gather [hbm4b:s3+s10], $0x40, s0, s10, $0xb8;
	[tilespmem:$0x14C00] =	vst v63  }
.LBB2_13:
0x16d: {  	_ =	sfence.sel $0x180000  }
0x16e: {  	[bflag:$0x0] =	sbarrier.arrive $0xFFFF  }
0x16f: {  	_ =	strace $0x90000047  }
0x170: {  	s0 =	stileid.u32;
	[bflag:$0x2] =	sbarrier.arrive $0xFFFF  }
0x171: {  	p0 =	sne.s32 s0, $0x0;
	s0 =	rddreg [dreg:$0x1]  }
0x172: {  	s0 =	sadd.s32 @!p0 $0x100000, s0  }
0x173: {  	[sflag:s0] =	ssyncadd.tile.s32 @!p0 $0x1;
	_ =	shalt  }
.Lfunc_end2:
_tile_overlayer_lowered:
.L_overlay_start_2:
0x174: {  	(tag) =	ssettag $0x2  }
0x175: {  	s0 =	rddreg [dreg:$0x0];
	s2 =	stileid.u32  }
0x176: {  	s1 =	rddreg [dreg:$0x1];
	p0 =	sne.s32 s2, $0x0  }
0x177: {  	s3 =	rddreg [dreg:$0x2];
	[bflag:$0x3] =	sbarrier.arrive $0xFFFF;
	s2 =	simm.s32 @!p0 $0x1C05  }
0x178: {  	[timem:s3], [sflag:s2] =	dma.local @!p0 [hbm:s0], s1  }
0x179: {  	s0 =	simm.s32 @!p0 $0x5  }
0x17a: {  	_ =	swait.ge @!p0 [sflag:s0], s1  }
0x17b: {  	s1 =	ssub.s32 @!p0 $0x0, s1;
	[sflag:s0] =	ssyncset.done @!p0 $0x0  }
0x17c: {  	[sflag:s0] =	ssyncadd.s32 @!p0 s1  }
0x17d: {  	[bflag:$0x3] =	sbarrier.arrive $0xFFFF  }
0x17e: {  	_ =	shalt  }

</sc_bundles>
